<compile_context>
chip_gen: v7x
topology: tpu7x:2x2x1
jax: 0.10.2.dev20260603
libtpu: 0.0.44.dev20260713+nightly
codegen_flags: <defaults>
</compile_context>

<pallas_src>
import functools

import jax
import jax.numpy as jnp
from jax import lax
from jax.experimental import pallas as pl
from jax.experimental.pallas import tpu as pltpu
from jax.experimental.pallas import tpu_sc as plsc

_BS = 4
_NBANK = 3
_CHUNK = 128


def _build(B, V, D, NC, NS):
    NW = NC * NS
    b_per_w = B // NW
    n_blocks = b_per_w // _BS
    n_chunks = b_per_w // _CHUNK
    blocks_per_chunk = _CHUNK // _BS
    mesh = plsc.VectorSubcoreMesh(core_axis_name="c", subcore_axis_name="s")

    @functools.partial(
        pl.kernel,
        mesh=mesh,
        out_type=jax.ShapeDtypeStruct((B, 128), jnp.float32),
        scratch_types=[
            pltpu.VMEM((b_per_w + 16,), jnp.int32),
            pltpu.VMEM((n_chunks, _CHUNK), jnp.int32),
            pltpu.VMEM((_NBANK * _BS, D, 128), jnp.float32),
            pltpu.VMEM((_CHUNK, 128), jnp.float32),
            pltpu.SemaphoreType.DMA,
            pltpu.SemaphoreType.DMA,
            pltpu.SemaphoreType.DMA,
            pltpu.SemaphoreType.DMA,
        ],
        compiler_params=pltpu.CompilerParams(needs_layout_passes=False),
    )
    def gather_kernel(tab_hbm, sr_hbm, perm_hbm, out_hbm, idx_v, perm_v,
                      slots, rows, sem0, sem1, sem2, sem_sc):
        wid = lax.axis_index("s") * NC + lax.axis_index("c")
        base = wid * b_per_w
        pltpu.sync_copy(sr_hbm.at[pl.ds(base, b_per_w)],
                        idx_v.at[pl.ds(0, b_per_w)])
        pltpu.sync_copy(perm_hbm.at[pl.ds(wid * n_chunks, n_chunks)], perm_v)
        lanes = lax.iota(jnp.int32, 16)
        sems = [sem0, sem1, sem2]
        dummy = tab_hbm.at[:, pl.ds(0, 128)]

        def scan_rs(b):
            off = pl.multiple_of((b // 4) * 16, 16)
            ivec = idx_v[pl.ds(off, 16)]
            lo = (b % 4) * 4
            return [jnp.sum(jnp.where(lanes == lo + l, ivec, 0))
                    for l in range(_BS)]

        def plan(b, rs, carry):
            ps, pnf, pslot = carry
            ss = [lax.bitwise_and(r, -128) for r in rs]
            sbase = (b % _NBANK) * _BS
            f = [jnp.logical_or(ss[0] != ps, pnf == 0)]
            nf = [jnp.where(f[0], 1, 0)]
            slot = [jnp.where(f[0], sbase, pslot)]
            for l in range(1, _BS):
                fl = ss[l] != ss[l - 1]
                f.append(fl)
                slot.append(jnp.where(fl, sbase + nf[l - 1], slot[l - 1]))
                nf.append(nf[l - 1] + jnp.where(fl, 1, 0))
            return dict(rs=rs, ss=ss, f=f, nf=nf, slot=slot,
                        sbase=sbase, carry=(ss[-1], nf[-1], slot[-1]))

        def issue(p, sem):
            for l in range(_BS):
                @pl.when(p["f"][l])
                def _(l=l):
                    s = pl.multiple_of(p["ss"][l], 128)
                    pltpu.async_copy(tab_hbm.at[:, pl.ds(s, 128)],
                                     slots.at[p["slot"][l]], sem)

        def drain(p, sem):
            for k in range(_BS):
                @pl.when(p["nf"][_BS - 1] > k)
                def _(k=k):
                    pltpu.make_async_copy(dummy, slots.at[k], sem).wait()

        def extract(b, p):
            for l in range(_BS):
                col = jnp.full((16,), lax.bitwise_and(p["rs"][l], 127),
                               jnp.int32)
                row = (b % blocks_per_chunk) * _BS + l
                for k in range(D // 16):
                    vals = plsc.load_gather(
                        slots.at[p["slot"][l]], [lanes + 16 * k, col]
                    )
                    rows[row, pl.ds(16 * k, 16)] = vals

        chain0 = (jnp.int32(-1), jnp.int32(1), jnp.int32(0))
        rs0 = scan_rs(0)
        issue(plan(0, rs0, chain0), sem0)
        carry0 = chain0 + tuple(rs0)

        def body(b, carry):
            chain, rs_b = carry[:3], list(carry[3:])
            p = plan(b, rs_b, chain)
            rs_next = scan_rs(b + 1)
            p_next = plan(b + 1, rs_next, p["carry"])
            for k in range(_NBANK):
                @pl.when(jnp.logical_and((b + 1) % _NBANK == k,
                                         b + 1 < n_blocks))
                def _(k=k):
                    issue(p_next, sems[k])
            for k in range(_NBANK):
                @pl.when(b % _NBANK == k)
                def _(k=k):
                    drain(p, sems[k])

            @pl.when(jnp.logical_and(b % blocks_per_chunk == 0, b > 0))
            def _():
                pltpu.make_async_copy(out_hbm.at[pl.ds(0, _CHUNK)],
                                      rows, sem_sc).wait()

            extract(b, p)

            @pl.when(b % blocks_per_chunk == blocks_per_chunk - 1)
            def _():
                pltpu.async_copy(rows,
                                 out_hbm.at[perm_v.at[b // blocks_per_chunk]],
                                 sem_sc)
            return p["carry"] + tuple(rs_next)

        lax.fori_loop(0, n_blocks, body, carry0)
        pltpu.make_async_copy(out_hbm.at[pl.ds(0, _CHUNK)],
                              rows, sem_sc).wait()

    return gather_kernel


def kernel(cls, embedding):
    (B,) = cls.shape
    V, D = embedding.shape
    info = plsc.get_sparse_core_info()
    NC, NS = info.num_cores, info.num_subcores
    sr, perm = lax.sort_key_val(cls, lax.iota(jnp.int32, B))
    out128 = _build(B, V, D, NC, NS)(embedding.T, sr,
                                     perm.reshape(B // 128, 128))
    return out128[:, :D]

# --- scband reference (transcript-rebuilt; emitter-appended) ---
"""Pipeline reference for scband-class-embed-36206574305863 (READ-ONLY COPY).

The authoritative reference and input builder live on the scoring server;
editing this copy changes nothing except your own understanding.
"""

import jax, jax.numpy as jnp
import numpy as np

NUM_CLASSES = 1000000
OUT_DIM = 64
BATCH = 16384

def setup_inputs(seed: int = 0) -> dict:
    key = jax.random.key(seed)
    k_idx, k_tab = jax.random.split(key)
    cls = jax.random.randint(k_idx, (BATCH,), 0, NUM_CLASSES, dtype=jnp.int32)
    # flax nn.Embed default init: normal(stddev=1.0) over [num_embeddings, features]
    embedding = jax.random.normal(k_tab, (NUM_CLASSES, OUT_DIM), dtype=jnp.float32)
    return {"cls": cls, "embedding": embedding}

def reference(cls, embedding):
    # nn.Embed(num_classes, out_dim)(cls) -> gather rows
    return jnp.take(embedding, cls, axis=0)

if __name__ == "__main__":
    import jax
    _d = setup_inputs()
    print(jax.jit(kernel)(*tuple(_d.values())))

</pallas_src>

<mosaic_0001>
#map = affine_map<(d0, d1) -> (0, 0)>
#map1 = affine_map<(d0, d1) -> (0)>
module attributes {stable_mosaic.version = 14 : i64} {
  func.func @gather_kernel(%arg0: i32, %arg1: i32, %arg2: memref<64x1000000xf32, #tpu.memory_space<hbm>>, %arg3: memref<16384xi32, #tpu.memory_space<hbm>>, %arg4: memref<128x128xi32, #tpu.memory_space<hbm>>, %arg5: memref<16384x128xf32, #tpu.memory_space<hbm>>, %arg6: memref<528xi32, #tpu.memory_space<vmem>>, %arg7: memref<4x128xi32, #tpu.memory_space<vmem>>, %arg8: memref<12x64x128xf32, #tpu.memory_space<vmem>>, %arg9: memref<128x128xf32, #tpu.memory_space<vmem>>, %arg10: memref<!tpu.dma_semaphore, #tpu.memory_space<semaphore_mem>>, %arg11: memref<!tpu.dma_semaphore, #tpu.memory_space<semaphore_mem>>, %arg12: memref<!tpu.dma_semaphore, #tpu.memory_space<semaphore_mem>>, %arg13: memref<!tpu.dma_semaphore, #tpu.memory_space<semaphore_mem>>) attributes {dimension_semantics = [#tpu.dimension_semantics<core_parallel>, #tpu.dimension_semantics<subcore_parallel>], iteration_bounds = array<i64: 2, 16>, scalar_prefetch = 0 : i64, scratch_operands = 8 : i64, tpu.core_type = #tpu.core_type<sc_vector_subcore>, window_params = [{transform_indices = #map}, {transform_indices = #map1}, {transform_indices = #map}, {transform_indices = #map}]} {
    %mul3A = arith.constant 2 : i32
    %mul3A_0 = arith.muli %arg1, %mul3A : i32
    %add3A = arith.addi %mul3A_0, %arg0 : i32
    %mul3A_1 = arith.constant 512 : i32
    %mul3A_2 = arith.muli %add3A, %mul3A_1 : i32
    "tpu.region"() ({
      %run_scoped3A = tpu.sem_alloc : memref<!tpu.dma_semaphore, #tpu.memory_space<semaphore_mem>>
      %dma_start3A = arith.constant 0 : i32
      %dma_start3A_106 = tpu.memref_slice %arg6[%dma_start3A] : memref<528xi32, #tpu.memory_space<vmem>> -> memref<512xi32, #tpu.memory_space<vmem>>
      %dma_start3A_107 = tpu.memref_slice %arg3[%mul3A_2] : memref<16384xi32, #tpu.memory_space<hbm>> -> memref<512xi32, #tpu.memory_space<hbm>>
      %dma_start3A_108 = arith.constant 0 : i32
      %dma_start3A_109 = tpu.memref_slice %arg6[%dma_start3A_108] : memref<528xi32, #tpu.memory_space<vmem>> -> memref<512xi32, #tpu.memory_space<vmem>>
      %dma_start3A_110 = tpu.memref_slice %arg3[%mul3A_2] : memref<16384xi32, #tpu.memory_space<hbm>> -> memref<512xi32, #tpu.memory_space<hbm>>
      tpu.enqueue_dma source(%dma_start3A_110 : memref<512xi32, #tpu.memory_space<hbm>>) target(%dma_start3A_109 : memref<512xi32, #tpu.memory_space<vmem>>) target_semaphore(%run_scoped3A : memref<!tpu.dma_semaphore, #tpu.memory_space<semaphore_mem>>)
      %dma_wait3A_111 = arith.constant 0 : i32
      %dma_wait3A_112 = tpu.memref_slice %arg6[%dma_wait3A_111] : memref<528xi32, #tpu.memory_space<vmem>> -> memref<512xi32, #tpu.memory_space<vmem>>
      %dma_wait3A_113 = tpu.memref_slice %arg3[%mul3A_2] : memref<16384xi32, #tpu.memory_space<hbm>> -> memref<512xi32, #tpu.memory_space<hbm>>
      %dma_wait3A_114 = arith.constant 0 : i32
      %dma_wait3A_115 = tpu.memref_slice %arg6[%dma_wait3A_114] : memref<528xi32, #tpu.memory_space<vmem>> -> memref<512xi32, #tpu.memory_space<vmem>>
      %dma_wait3A_116 = tpu.memref_slice %arg3[%mul3A_2] : memref<16384xi32, #tpu.memory_space<hbm>> -> memref<512xi32, #tpu.memory_space<hbm>>
      tpu.wait_dma2 semaphore(%run_scoped3A : memref<!tpu.dma_semaphore, #tpu.memory_space<semaphore_mem>>) src(%dma_wait3A_116 : memref<512xi32, #tpu.memory_space<hbm>>) dst(%dma_wait3A_115 : memref<512xi32, #tpu.memory_space<vmem>>)
      tpu.yield
    }) : () -> ()
    %mul3A_3 = arith.constant 4 : i32
    %mul3A_4 = arith.muli %add3A, %mul3A_3 : i32
    "tpu.region"() ({
      %run_scoped3A = tpu.sem_alloc : memref<!tpu.dma_semaphore, #tpu.memory_space<semaphore_mem>>
      %dma_start3A = arith.constant 0 : i32
      %dma_start3A_106 = tpu.memref_slice %arg4[%mul3A_4, %dma_start3A] : memref<128x128xi32, #tpu.memory_space<hbm>> -> memref<4x128xi32, #tpu.memory_space<hbm>>
      %dma_start3A_107 = arith.constant 0 : i32
      %dma_start3A_108 = tpu.memref_slice %arg4[%mul3A_4, %dma_start3A_107] : memref<128x128xi32, #tpu.memory_space<hbm>> -> memref<4x128xi32, #tpu.memory_space<hbm>>
      tpu.enqueue_dma source(%dma_start3A_108 : memref<4x128xi32, #tpu.memory_space<hbm>>) target(%arg7 : memref<4x128xi32, #tpu.memory_space<vmem>>) target_semaphore(%run_scoped3A : memref<!tpu.dma_semaphore, #tpu.memory_space<semaphore_mem>>)
      %dma_wait3A_109 = arith.constant 0 : i32
      %dma_wait3A_110 = tpu.memref_slice %arg4[%mul3A_4, %dma_wait3A_109] : memref<128x128xi32, #tpu.memory_space<hbm>> -> memref<4x128xi32, #tpu.memory_space<hbm>>
      %dma_wait3A_111 = arith.constant 0 : i32
      %dma_wait3A_112 = tpu.memref_slice %arg4[%mul3A_4, %dma_wait3A_111] : memref<128x128xi32, #tpu.memory_space<hbm>> -> memref<4x128xi32, #tpu.memory_space<hbm>>
      tpu.wait_dma2 semaphore(%run_scoped3A : memref<!tpu.dma_semaphore, #tpu.memory_space<semaphore_mem>>) src(%dma_wait3A_112 : memref<4x128xi32, #tpu.memory_space<hbm>>) dst(%arg7 : memref<4x128xi32, #tpu.memory_space<vmem>>)
      tpu.yield
    }) : () -> ()
    %iota3A = tpu.iota {dimensions = array<i32: 0>} : vector<16xi32>
    %multiple_of3A = arith.constant 0 : i32
    %multiple_of3A_5 = tpu.assume_multiple %multiple_of3A, 16 : i32
    %get3A = arith.index_cast %multiple_of3A_5 : i32 to index
    %get3A_6 = tpu.vector_load %arg6[%get3A] {strides = array<i32>} : memref<528xi32, #tpu.memory_space<vmem>>, vector<16xi32>,
    %eq3A = arith.constant 0 : i32
    %eq3A_7 = vector.broadcast %eq3A : i32 to vector<16xi32>
    %eq3A_8 = arith.cmpi eq, %iota3A, %eq3A_7 : vector<16xi32>
    %jit3A = arith.constant 0 : i32
    %broadcast_in_dim3A = vector.broadcast %jit3A : i32 to vector<16xi32>
    %select_n3A = arith.select %eq3A_8, %get3A_6, %broadcast_in_dim3A : vector<16xi1>, vector<16xi32>
    %reduce_sum3A = arith.constant true
    %reduce_sum3A_9 = vector.broadcast %reduce_sum3A : i1 to vector<16xi1>
    %reduce_sum3A_10 = tpu.scan <sum>, %select_n3A masked %reduce_sum3A_9 : vector<16xi32>, vector<16xi1> -> vector<16xi32>
    %reduce_sum3A_11 = vector.extract %reduce_sum3A_10[15] : i32 from vector<16xi32>
    %eq3A_12 = arith.constant 1 : i32
    %eq3A_13 = vector.broadcast %eq3A_12 : i32 to vector<16xi32>
    %eq3A_14 = arith.cmpi eq, %iota3A, %eq3A_13 : vector<16xi32>
    %jit3A_15 = arith.constant 0 : i32
    %broadcast_in_dim3A_16 = vector.broadcast %jit3A_15 : i32 to vector<16xi32>
    %select_n3A_17 = arith.select %eq3A_14, %get3A_6, %broadcast_in_dim3A_16 : vector<16xi1>, vector<16xi32>
    %reduce_sum3A_18 = arith.constant true
    %reduce_sum3A_19 = vector.broadcast %reduce_sum3A_18 : i1 to vector<16xi1>
    %reduce_sum3A_20 = tpu.scan <sum>, %select_n3A_17 masked %reduce_sum3A_19 : vector<16xi32>, vector<16xi1> -> vector<16xi32>
    %reduce_sum3A_21 = vector.extract %reduce_sum3A_20[15] : i32 from vector<16xi32>
    %eq3A_22 = arith.constant 2 : i32
    %eq3A_23 = vector.broadcast %eq3A_22 : i32 to vector<16xi32>
    %eq3A_24 = arith.cmpi eq, %iota3A, %eq3A_23 : vector<16xi32>
    %jit3A_25 = arith.constant 0 : i32
    %broadcast_in_dim3A_26 = vector.broadcast %jit3A_25 : i32 to vector<16xi32>
    %select_n3A_27 = arith.select %eq3A_24, %get3A_6, %broadcast_in_dim3A_26 : vector<16xi1>, vector<16xi32>
    %reduce_sum3A_28 = arith.constant true
    %reduce_sum3A_29 = vector.broadcast %reduce_sum3A_28 : i1 to vector<16xi1>
    %reduce_sum3A_30 = tpu.scan <sum>, %select_n3A_27 masked %reduce_sum3A_29 : vector<16xi32>, vector<16xi1> -> vector<16xi32>
    %reduce_sum3A_31 = vector.extract %reduce_sum3A_30[15] : i32 from vector<16xi32>
    %eq3A_32 = arith.constant 3 : i32
    %eq3A_33 = vector.broadcast %eq3A_32 : i32 to vector<16xi32>
    %eq3A_34 = arith.cmpi eq, %iota3A, %eq3A_33 : vector<16xi32>
    %jit3A_35 = arith.constant 0 : i32
    %broadcast_in_dim3A_36 = vector.broadcast %jit3A_35 : i32 to vector<16xi32>
    %select_n3A_37 = arith.select %eq3A_34, %get3A_6, %broadcast_in_dim3A_36 : vector<16xi1>, vector<16xi32>
    %reduce_sum3A_38 = arith.constant true
    %reduce_sum3A_39 = vector.broadcast %reduce_sum3A_38 : i1 to vector<16xi1>
    %reduce_sum3A_40 = tpu.scan <sum>, %select_n3A_37 masked %reduce_sum3A_39 : vector<16xi32>, vector<16xi1> -> vector<16xi32>
    %reduce_sum3A_41 = vector.extract %reduce_sum3A_40[15] : i32 from vector<16xi32>
    %and3A = arith.constant -128 : i32
    %and3A_42 = arith.andi %reduce_sum3A_11, %and3A : i32
    %and3A_43 = arith.constant -128 : i32
    %and3A_44 = arith.andi %reduce_sum3A_21, %and3A_43 : i32
    %and3A_45 = arith.constant -128 : i32
    %and3A_46 = arith.andi %reduce_sum3A_31, %and3A_45 : i32
    %and3A_47 = arith.constant -128 : i32
    %and3A_48 = arith.andi %reduce_sum3A_41, %and3A_47 : i32
    %ne3A = arith.constant -1 : i32
    %ne3A_49 = arith.cmpi ne, %and3A_42, %ne3A : i32
    %eq3A_50 = arith.constant 1 : i32
    %eq3A_51 = arith.constant 0 : i32
    %eq3A_52 = arith.cmpi eq, %eq3A_50, %eq3A_51 : i32
    %or3A = arith.ori %ne3A_49, %eq3A_52 : i1
    %jit3A_53 = arith.constant 1 : i32
    %jit3A_54 = arith.constant 0 : i32
    %select_n3A_55 = arith.select %or3A, %jit3A_53, %jit3A_54 : i32
    %jit3A_56 = arith.constant 0 : i32
    %jit3A_57 = arith.constant 0 : i32
    %select_n3A_58 = arith.select %or3A, %jit3A_56, %jit3A_57 : i32
    %ne3A_59 = arith.cmpi ne, %and3A_44, %and3A_42 : i32
    %add3A_60 = arith.constant 0 : i32
    %add3A_61 = arith.addi %add3A_60, %select_n3A_55 : i32
    %select_n3A_62 = arith.select %ne3A_59, %add3A_61, %select_n3A_58 : i32
    %jit3A_63 = arith.constant 1 : i32
    %jit3A_64 = arith.constant 0 : i32
    %select_n3A_65 = arith.select %ne3A_59, %jit3A_63, %jit3A_64 : i32
    %add3A_66 = arith.addi %select_n3A_55, %select_n3A_65 : i32
    %ne3A_67 = arith.cmpi ne, %and3A_46, %and3A_44 : i32
    %add3A_68 = arith.constant 0 : i32
    %add3A_69 = arith.addi %add3A_68, %add3A_66 : i32
    %select_n3A_70 = arith.select %ne3A_67, %add3A_69, %select_n3A_62 : i32
    %jit3A_71 = arith.constant 1 : i32
    %jit3A_72 = arith.constant 0 : i32
    %select_n3A_73 = arith.select %ne3A_67, %jit3A_71, %jit3A_72 : i32
    %add3A_74 = arith.addi %add3A_66, %select_n3A_73 : i32
    %ne3A_75 = arith.cmpi ne, %and3A_48, %and3A_46 : i32
    %add3A_76 = arith.constant 0 : i32
    %add3A_77 = arith.addi %add3A_76, %add3A_74 : i32
    %select_n3A_78 = arith.select %ne3A_75, %add3A_77, %select_n3A_70 : i32
    %jit3A_79 = arith.constant 1 : i32
    %jit3A_80 = arith.constant 0 : i32
    %select_n3A_81 = arith.select %ne3A_75, %jit3A_79, %jit3A_80 : i32
    %add3A_82 = arith.addi %add3A_74, %select_n3A_81 : i32
    %convert_element_type3A = arith.extui %or3A : i1 to i32
    %cond3A = arith.constant 0 : i32
    %cond3A_83 = arith.cmpi ne, %convert_element_type3A, %cond3A : i32
    scf.if %cond3A_83 {
      %multiple_of3A_106 = tpu.assume_multiple %and3A_42, 128 : i32
      %dma_start3A = arith.constant 0 : i32
      %dma_start3A_107 = arith.constant 0 : i32
      %dma_start3A_108 = tpu.memref_slice %arg8[%select_n3A_58, %dma_start3A, %dma_start3A_107] : memref<12x64x128xf32, #tpu.memory_space<vmem>> -> memref<1x64x128xf32, #tpu.memory_space<vmem>>
      %dma_start3A_109 = tpu.memref_squeeze %dma_start3A_108 : memref<1x64x128xf32, #tpu.memory_space<vmem>> -> memref<64x128xf32, #tpu.memory_space<vmem>>
      %dma_start3A_110 = arith.constant 0 : i32
      %dma_start3A_111 = tpu.memref_slice %arg2[%dma_start3A_110, %multiple_of3A_106] : memref<64x1000000xf32, #tpu.memory_space<hbm>> -> memref<64x128xf32, #tpu.memory_space<hbm>>
      %dma_start3A_112 = arith.constant 0 : i32
      %dma_start3A_113 = arith.constant 0 : i32
      %dma_start3A_114 = tpu.memref_slice %arg8[%select_n3A_58, %dma_start3A_112, %dma_start3A_113] : memref<12x64x128xf32, #tpu.memory_space<vmem>> -> memref<1x64x128xf32, #tpu.memory_space<vmem>>
      %dma_start3A_115 = tpu.memref_squeeze %dma_start3A_114 : memref<1x64x128xf32, #tpu.memory_space<vmem>> -> memref<64x128xf32, #tpu.memory_space<vmem>>
      %dma_start3A_116 = arith.constant 0 : i32
      %dma_start3A_117 = tpu.memref_slice %arg2[%dma_start3A_116, %multiple_of3A_106] : memref<64x1000000xf32, #tpu.memory_space<hbm>> -> memref<64x128xf32, #tpu.memory_space<hbm>>
      tpu.enqueue_dma source(%dma_start3A_117 : memref<64x128xf32, #tpu.memory_space<hbm>>) target(%dma_start3A_115 : memref<64x128xf32, #tpu.memory_space<vmem>>) target_semaphore(%arg10 : memref<!tpu.dma_semaphore, #tpu.memory_space<semaphore_mem>>)
    } else {
    }
    %convert_element_type3A_84 = arith.extui %ne3A_59 : i1 to i32
    %cond3A_85 = arith.constant 0 : i32
    %cond3A_86 = arith.cmpi ne, %convert_element_type3A_84, %cond3A_85 : i32
    scf.if %cond3A_86 {
      %multiple_of3A_106 = tpu.assume_multiple %and3A_44, 128 : i32
      %dma_start3A = arith.constant 0 : i32
      %dma_start3A_107 = arith.constant 0 : i32
      %dma_start3A_108 = tpu.memref_slice %arg8[%select_n3A_62, %dma_start3A, %dma_start3A_107] : memref<12x64x128xf32, #tpu.memory_space<vmem>> -> memref<1x64x128xf32, #tpu.memory_space<vmem>>
      %dma_start3A_109 = tpu.memref_squeeze %dma_start3A_108 : memref<1x64x128xf32, #tpu.memory_space<vmem>> -> memref<64x128xf32, #tpu.memory_space<vmem>>
      %dma_start3A_110 = arith.constant 0 : i32
      %dma_start3A_111 = tpu.memref_slice %arg2[%dma_start3A_110, %multiple_of3A_106] : memref<64x1000000xf32, #tpu.memory_space<hbm>> -> memref<64x128xf32, #tpu.memory_space<hbm>>
      %dma_start3A_112 = arith.constant 0 : i32
      %dma_start3A_113 = arith.constant 0 : i32
      %dma_start3A_114 = tpu.memref_slice %arg8[%select_n3A_62, %dma_start3A_112, %dma_start3A_113] : memref<12x64x128xf32, #tpu.memory_space<vmem>> -> memref<1x64x128xf32, #tpu.memory_space<vmem>>
      %dma_start3A_115 = tpu.memref_squeeze %dma_start3A_114 : memref<1x64x128xf32, #tpu.memory_space<vmem>> -> memref<64x128xf32, #tpu.memory_space<vmem>>
      %dma_start3A_116 = arith.constant 0 : i32
      %dma_start3A_117 = tpu.memref_slice %arg2[%dma_start3A_116, %multiple_of3A_106] : memref<64x1000000xf32, #tpu.memory_space<hbm>> -> memref<64x128xf32, #tpu.memory_space<hbm>>
      tpu.enqueue_dma source(%dma_start3A_117 : memref<64x128xf32, #tpu.memory_space<hbm>>) target(%dma_start3A_115 : memref<64x128xf32, #tpu.memory_space<vmem>>) target_semaphore(%arg10 : memref<!tpu.dma_semaphore, #tpu.memory_space<semaphore_mem>>)
    } else {
    }
    %convert_element_type3A_87 = arith.extui %ne3A_67 : i1 to i32
    %cond3A_88 = arith.constant 0 : i32
    %cond3A_89 = arith.cmpi ne, %convert_element_type3A_87, %cond3A_88 : i32
    scf.if %cond3A_89 {
      %multiple_of3A_106 = tpu.assume_multiple %and3A_46, 128 : i32
      %dma_start3A = arith.constant 0 : i32
      %dma_start3A_107 = arith.constant 0 : i32
      %dma_start3A_108 = tpu.memref_slice %arg8[%select_n3A_70, %dma_start3A, %dma_start3A_107] : memref<12x64x128xf32, #tpu.memory_space<vmem>> -> memref<1x64x128xf32, #tpu.memory_space<vmem>>
      %dma_start3A_109 = tpu.memref_squeeze %dma_start3A_108 : memref<1x64x128xf32, #tpu.memory_space<vmem>> -> memref<64x128xf32, #tpu.memory_space<vmem>>
      %dma_start3A_110 = arith.constant 0 : i32
      %dma_start3A_111 = tpu.memref_slice %arg2[%dma_start3A_110, %multiple_of3A_106] : memref<64x1000000xf32, #tpu.memory_space<hbm>> -> memref<64x128xf32, #tpu.memory_space<hbm>>
      %dma_start3A_112 = arith.constant 0 : i32
      %dma_start3A_113 = arith.constant 0 : i32
      %dma_start3A_114 = tpu.memref_slice %arg8[%select_n3A_70, %dma_start3A_112, %dma_start3A_113] : memref<12x64x128xf32, #tpu.memory_space<vmem>> -> memref<1x64x128xf32, #tpu.memory_space<vmem>>
      %dma_start3A_115 = tpu.memref_squeeze %dma_start3A_114 : memref<1x64x128xf32, #tpu.memory_space<vmem>> -> memref<64x128xf32, #tpu.memory_space<vmem>>
      %dma_start3A_116 = arith.constant 0 : i32
      %dma_start3A_117 = tpu.memref_slice %arg2[%dma_start3A_116, %multiple_of3A_106] : memref<64x1000000xf32, #tpu.memory_space<hbm>> -> memref<64x128xf32, #tpu.memory_space<hbm>>
      tpu.enqueue_dma source(%dma_start3A_117 : memref<64x128xf32, #tpu.memory_space<hbm>>) target(%dma_start3A_115 : memref<64x128xf32, #tpu.memory_space<vmem>>) target_semaphore(%arg10 : memref<!tpu.dma_semaphore, #tpu.memory_space<semaphore_mem>>)
    } else {
    }
    %convert_element_type3A_90 = arith.extui %ne3A_75 : i1 to i32
    %cond3A_91 = arith.constant 0 : i32
    %cond3A_92 = arith.cmpi ne, %convert_element_type3A_90, %cond3A_91 : i32
    scf.if %cond3A_92 {
      %multiple_of3A_106 = tpu.assume_multiple %and3A_48, 128 : i32
      %dma_start3A = arith.constant 0 : i32
      %dma_start3A_107 = arith.constant 0 : i32
      %dma_start3A_108 = tpu.memref_slice %arg8[%select_n3A_78, %dma_start3A, %dma_start3A_107] : memref<12x64x128xf32, #tpu.memory_space<vmem>> -> memref<1x64x128xf32, #tpu.memory_space<vmem>>
      %dma_start3A_109 = tpu.memref_squeeze %dma_start3A_108 : memref<1x64x128xf32, #tpu.memory_space<vmem>> -> memref<64x128xf32, #tpu.memory_space<vmem>>
      %dma_start3A_110 = arith.constant 0 : i32
      %dma_start3A_111 = tpu.memref_slice %arg2[%dma_start3A_110, %multiple_of3A_106] : memref<64x1000000xf32, #tpu.memory_space<hbm>> -> memref<64x128xf32, #tpu.memory_space<hbm>>
      %dma_start3A_112 = arith.constant 0 : i32
      %dma_start3A_113 = arith.constant 0 : i32
      %dma_start3A_114 = tpu.memref_slice %arg8[%select_n3A_78, %dma_start3A_112, %dma_start3A_113] : memref<12x64x128xf32, #tpu.memory_space<vmem>> -> memref<1x64x128xf32, #tpu.memory_space<vmem>>
      %dma_start3A_115 = tpu.memref_squeeze %dma_start3A_114 : memref<1x64x128xf32, #tpu.memory_space<vmem>> -> memref<64x128xf32, #tpu.memory_space<vmem>>
      %dma_start3A_116 = arith.constant 0 : i32
      %dma_start3A_117 = tpu.memref_slice %arg2[%dma_start3A_116, %multiple_of3A_106] : memref<64x1000000xf32, #tpu.memory_space<hbm>> -> memref<64x128xf32, #tpu.memory_space<hbm>>
      tpu.enqueue_dma source(%dma_start3A_117 : memref<64x128xf32, #tpu.memory_space<hbm>>) target(%dma_start3A_115 : memref<64x128xf32, #tpu.memory_space<vmem>>) target_semaphore(%arg10 : memref<!tpu.dma_semaphore, #tpu.memory_space<semaphore_mem>>)
    } else {
    }
    %scan3A = arith.constant -1 : i32
    %scan3A_93 = arith.constant 1 : i32
    %scan3A_94 = arith.constant 0 : i32
    %scan3A_95 = arith.constant 0 : i32
    %scan3A_96 = arith.constant 128 : i32
    %scan3A_97 = arith.addi %scan3A_95, %scan3A_96 : i32
    %scan3A_98 = arith.constant 1 : i32
    %scan3A_99:7 = scf.for %scan3A_106 = %scan3A_95 to %scan3A_97 step %scan3A_98 iter_args(%scan3A_107 = %scan3A, %scan3A_108 = %scan3A_93, %scan3A_109 = %scan3A_94, %scan3A_110 = %reduce_sum3A_11, %scan3A_111 = %reduce_sum3A_21, %scan3A_112 = %reduce_sum3A_31, %scan3A_113 = %reduce_sum3A_41) -> (i32, i32, i32, i32, i32, i32, i32)  : i32 {
      %and3A_114 = arith.constant -128 : i32
      %and3A_115 = arith.andi %scan3A_110, %and3A_114 : i32
      %and3A_116 = arith.constant -128 : i32
      %and3A_117 = arith.andi %scan3A_111, %and3A_116 : i32
      %and3A_118 = arith.constant -128 : i32
      %and3A_119 = arith.andi %scan3A_112, %and3A_118 : i32
      %and3A_120 = arith.constant -128 : i32
      %and3A_121 = arith.andi %scan3A_113, %and3A_120 : i32
      %jit3A_122 = arith.constant 3 : i32
      %eq3A_123 = arith.constant 0 : i32
      %eq3A_124 = arith.cmpi eq, %jit3A_122, %eq3A_123 : i32
      %jit3A_125 = arith.constant 1 : i32
      %select_n3A_126 = arith.select %eq3A_124, %jit3A_125, %jit3A_122 : i32
      %rem3A = arith.remsi %scan3A_106, %select_n3A_126 : i32
      %ne3A_127 = arith.constant 0 : i32
      %ne3A_128 = arith.cmpi ne, %rem3A, %ne3A_127 : i32
      %lt3A = arith.constant 0 : i32
      %lt3A_129 = arith.cmpi slt, %rem3A, %lt3A : i32
      %lt3A_130 = arith.constant 0 : i32
      %lt3A_131 = arith.cmpi slt, %select_n3A_126, %lt3A_130 : i32
      %ne3A_132 = arith.xori %lt3A_129, %lt3A_131 : i1
      %and3A_133 = arith.andi %ne3A_132, %ne3A_128 : i1
      %add3A_134 = arith.addi %rem3A, %select_n3A_126 : i32
      %select_n3A_135 = arith.select %and3A_133, %add3A_134, %rem3A : i32
      %mul3A_136 = arith.constant 4 : i32
      %mul3A_137 = arith.muli %select_n3A_135, %mul3A_136 : i32
      %ne3A_138 = arith.cmpi ne, %and3A_115, %scan3A_107 : i32
      %eq3A_139 = arith.constant 0 : i32
      %eq3A_140 = arith.cmpi eq, %scan3A_108, %eq3A_139 : i32
      %or3A_141 = arith.ori %ne3A_138, %eq3A_140 : i1
      %jit3A_142 = arith.constant 1 : i32
      %jit3A_143 = arith.constant 0 : i32
      %select_n3A_144 = arith.select %or3A_141, %jit3A_142, %jit3A_143 : i32
      %select_n3A_145 = arith.select %or3A_141, %mul3A_137, %scan3A_109 : i32
      %ne3A_146 = arith.cmpi ne, %and3A_117, %and3A_115 : i32
      %add3A_147 = arith.addi %mul3A_137, %select_n3A_144 : i32
      %select_n3A_148 = arith.select %ne3A_146, %add3A_147, %select_n3A_145 : i32
      %jit3A_149 = arith.constant 1 : i32
      %jit3A_150 = arith.constant 0 : i32
      %select_n3A_151 = arith.select %ne3A_146, %jit3A_149, %jit3A_150 : i32
      %add3A_152 = arith.addi %select_n3A_144, %select_n3A_151 : i32
      %ne3A_153 = arith.cmpi ne, %and3A_119, %and3A_117 : i32
      %add3A_154 = arith.addi %mul3A_137, %add3A_152 : i32
      %select_n3A_155 = arith.select %ne3A_153, %add3A_154, %select_n3A_148 : i32
      %jit3A_156 = arith.constant 1 : i32
      %jit3A_157 = arith.constant 0 : i32
      %select_n3A_158 = arith.select %ne3A_153, %jit3A_156, %jit3A_157 : i32
      %add3A_159 = arith.addi %add3A_152, %select_n3A_158 : i32
      %ne3A_160 = arith.cmpi ne, %and3A_121, %and3A_119 : i32
      %add3A_161 = arith.addi %mul3A_137, %add3A_159 : i32
      %select_n3A_162 = arith.select %ne3A_160, %add3A_161, %select_n3A_155 : i32
      %jit3A_163 = arith.constant 1 : i32
      %jit3A_164 = arith.constant 0 : i32
      %select_n3A_165 = arith.select %ne3A_160, %jit3A_163, %jit3A_164 : i32
      %add3A_166 = arith.addi %add3A_159, %select_n3A_165 : i32
      %add3A_167 = arith.constant 1 : i32
      %add3A_168 = arith.addi %scan3A_106, %add3A_167 : i32
      %jit3A_169 = arith.constant 4 : i32
      %div3A = arith.divsi %add3A_168, %jit3A_169 : i32
      %sign3A = arith.constant 0 : i32
      %sign3A_170 = arith.cmpi sgt, %add3A_168, %sign3A : i32
      %sign3A_171 = arith.extui %sign3A_170 : i1 to i32
      %sign3A_172 = arith.constant 0 : i32
      %sign3A_173 = arith.cmpi slt, %add3A_168, %sign3A_172 : i32
      %sign3A_174 = arith.extui %sign3A_173 : i1 to i32
      %sign3A_175 = arith.subi %sign3A_171, %sign3A_174 : i32
      %sign3A_176 = arith.constant 0 : i32
      %sign3A_177 = arith.cmpi sgt, %jit3A_169, %sign3A_176 : i32
      %sign3A_178 = arith.extui %sign3A_177 : i1 to i32
      %sign3A_179 = arith.constant 0 : i32
      %sign3A_180 = arith.cmpi slt, %jit3A_169, %sign3A_179 : i32
      %sign3A_181 = arith.extui %sign3A_180 : i1 to i32
      %sign3A_182 = arith.subi %sign3A_178, %sign3A_181 : i32
      %ne3A_183 = arith.cmpi ne, %sign3A_175, %sign3A_182 : i32
      %rem3A_184 = arith.remsi %add3A_168, %jit3A_169 : i32
      %ne3A_185 = arith.constant 0 : i32
      %ne3A_186 = arith.cmpi ne, %rem3A_184, %ne3A_185 : i32
      %and3A_187 = arith.andi %ne3A_183, %ne3A_186 : i1
      %sub3A = arith.constant 1 : i32
      %sub3A_188 = arith.subi %div3A, %sub3A : i32
      %select_n3A_189 = arith.select %and3A_187, %sub3A_188, %div3A : i32
      %mul3A_190 = arith.constant 16 : i32
      %mul3A_191 = arith.muli %select_n3A_189, %mul3A_190 : i32
      %multiple_of3A_192 = tpu.assume_multiple %mul3A_191, 16 : i32
      %get3A_193 = arith.index_cast %multiple_of3A_192 : i32 to index
      %get3A_194 = tpu.vector_load %arg6[%get3A_193] {strides = array<i32>} : memref<528xi32, #tpu.memory_space<vmem>>, vector<16xi32>,
      %jit3A_195 = arith.constant 4 : i32
      %eq3A_196 = arith.constant 0 : i32
      %eq3A_197 = arith.cmpi eq, %jit3A_195, %eq3A_196 : i32
      %jit3A_198 = arith.constant 1 : i32
      %select_n3A_199 = arith.select %eq3A_197, %jit3A_198, %jit3A_195 : i32
      %rem3A_200 = arith.remsi %add3A_168, %select_n3A_199 : i32
      %ne3A_201 = arith.constant 0 : i32
      %ne3A_202 = arith.cmpi ne, %rem3A_200, %ne3A_201 : i32
      %lt3A_203 = arith.constant 0 : i32
      %lt3A_204 = arith.cmpi slt, %rem3A_200, %lt3A_203 : i32
      %lt3A_205 = arith.constant 0 : i32
      %lt3A_206 = arith.cmpi slt, %select_n3A_199, %lt3A_205 : i32
      %ne3A_207 = arith.xori %lt3A_204, %lt3A_206 : i1
      %and3A_208 = arith.andi %ne3A_207, %ne3A_202 : i1
      %add3A_209 = arith.addi %rem3A_200, %select_n3A_199 : i32
      %select_n3A_210 = arith.select %and3A_208, %add3A_209, %rem3A_200 : i32
      %mul3A_211 = arith.constant 4 : i32
      %mul3A_212 = arith.muli %select_n3A_210, %mul3A_211 : i32
      %add3A_213 = arith.constant 0 : i32
      %add3A_214 = arith.addi %mul3A_212, %add3A_213 : i32
      %eq3A_215 = vector.broadcast %add3A_214 : i32 to vector<16xi32>
      %eq3A_216 = arith.cmpi eq, %iota3A, %eq3A_215 : vector<16xi32>
      %jit3A_217 = arith.constant 0 : i32
      %broadcast_in_dim3A_218 = vector.broadcast %jit3A_217 : i32 to vector<16xi32>
      %select_n3A_219 = arith.select %eq3A_216, %get3A_194, %broadcast_in_dim3A_218 : vector<16xi1>, vector<16xi32>
      %reduce_sum3A_220 = arith.constant true
      %reduce_sum3A_221 = vector.broadcast %reduce_sum3A_220 : i1 to vector<16xi1>
      %reduce_sum3A_222 = tpu.scan <sum>, %select_n3A_219 masked %reduce_sum3A_221 : vector<16xi32>, vector<16xi1> -> vector<16xi32>
      %reduce_sum3A_223 = vector.extract %reduce_sum3A_222[15] : i32 from vector<16xi32>
      %add3A_224 = arith.constant 1 : i32
      %add3A_225 = arith.addi %mul3A_212, %add3A_224 : i32
      %eq3A_226 = vector.broadcast %add3A_225 : i32 to vector<16xi32>
      %eq3A_227 = arith.cmpi eq, %iota3A, %eq3A_226 : vector<16xi32>
      %jit3A_228 = arith.constant 0 : i32
      %broadcast_in_dim3A_229 = vector.broadcast %jit3A_228 : i32 to vector<16xi32>
      %select_n3A_230 = arith.select %eq3A_227, %get3A_194, %broadcast_in_dim3A_229 : vector<16xi1>, vector<16xi32>
      %reduce_sum3A_231 = arith.constant true
      %reduce_sum3A_232 = vector.broadcast %reduce_sum3A_231 : i1 to vector<16xi1>
      %reduce_sum3A_233 = tpu.scan <sum>, %select_n3A_230 masked %reduce_sum3A_232 : vector<16xi32>, vector<16xi1> -> vector<16xi32>
      %reduce_sum3A_234 = vector.extract %reduce_sum3A_233[15] : i32 from vector<16xi32>
      %add3A_235 = arith.constant 2 : i32
      %add3A_236 = arith.addi %mul3A_212, %add3A_235 : i32
      %eq3A_237 = vector.broadcast %add3A_236 : i32 to vector<16xi32>
      %eq3A_238 = arith.cmpi eq, %iota3A, %eq3A_237 : vector<16xi32>
      %jit3A_239 = arith.constant 0 : i32
      %broadcast_in_dim3A_240 = vector.broadcast %jit3A_239 : i32 to vector<16xi32>
      %select_n3A_241 = arith.select %eq3A_238, %get3A_194, %broadcast_in_dim3A_240 : vector<16xi1>, vector<16xi32>
      %reduce_sum3A_242 = arith.constant true
      %reduce_sum3A_243 = vector.broadcast %reduce_sum3A_242 : i1 to vector<16xi1>
      %reduce_sum3A_244 = tpu.scan <sum>, %select_n3A_241 masked %reduce_sum3A_243 : vector<16xi32>, vector<16xi1> -> vector<16xi32>
      %reduce_sum3A_245 = vector.extract %reduce_sum3A_244[15] : i32 from vector<16xi32>
      %add3A_246 = arith.constant 3 : i32
      %add3A_247 = arith.addi %mul3A_212, %add3A_246 : i32
      %eq3A_248 = vector.broadcast %add3A_247 : i32 to vector<16xi32>
      %eq3A_249 = arith.cmpi eq, %iota3A, %eq3A_248 : vector<16xi32>
      %jit3A_250 = arith.constant 0 : i32
      %broadcast_in_dim3A_251 = vector.broadcast %jit3A_250 : i32 to vector<16xi32>
      %select_n3A_252 = arith.select %eq3A_249, %get3A_194, %broadcast_in_dim3A_251 : vector<16xi1>, vector<16xi32>
      %reduce_sum3A_253 = arith.constant true
      %reduce_sum3A_254 = vector.broadcast %reduce_sum3A_253 : i1 to vector<16xi1>
      %reduce_sum3A_255 = tpu.scan <sum>, %select_n3A_252 masked %reduce_sum3A_254 : vector<16xi32>, vector<16xi1> -> vector<16xi32>
      %reduce_sum3A_256 = vector.extract %reduce_sum3A_255[15] : i32 from vector<16xi32>
      %add3A_257 = arith.constant 1 : i32
      %add3A_258 = arith.addi %scan3A_106, %add3A_257 : i32
      %and3A_259 = arith.constant -128 : i32
      %and3A_260 = arith.andi %reduce_sum3A_223, %and3A_259 : i32
      %and3A_261 = arith.constant -128 : i32
      %and3A_262 = arith.andi %reduce_sum3A_234, %and3A_261 : i32
      %and3A_263 = arith.constant -128 : i32
      %and3A_264 = arith.andi %reduce_sum3A_245, %and3A_263 : i32
      %and3A_265 = arith.constant -128 : i32
      %and3A_266 = arith.andi %reduce_sum3A_256, %and3A_265 : i32
      %jit3A_267 = arith.constant 3 : i32
      %eq3A_268 = arith.constant 0 : i32
      %eq3A_269 = arith.cmpi eq, %jit3A_267, %eq3A_268 : i32
      %jit3A_270 = arith.constant 1 : i32
      %select_n3A_271 = arith.select %eq3A_269, %jit3A_270, %jit3A_267 : i32
      %rem3A_272 = arith.remsi %add3A_258, %select_n3A_271 : i32
      %ne3A_273 = arith.constant 0 : i32
      %ne3A_274 = arith.cmpi ne, %rem3A_272, %ne3A_273 : i32
      %lt3A_275 = arith.constant 0 : i32
      %lt3A_276 = arith.cmpi slt, %rem3A_272, %lt3A_275 : i32
      %lt3A_277 = arith.constant 0 : i32
      %lt3A_278 = arith.cmpi slt, %select_n3A_271, %lt3A_277 : i32
      %ne3A_279 = arith.xori %lt3A_276, %lt3A_278 : i1
      %and3A_280 = arith.andi %ne3A_279, %ne3A_274 : i1
      %add3A_281 = arith.addi %rem3A_272, %select_n3A_271 : i32
      %select_n3A_282 = arith.select %and3A_280, %add3A_281, %rem3A_272 : i32
      %mul3A_283 = arith.constant 4 : i32
      %mul3A_284 = arith.muli %select_n3A_282, %mul3A_283 : i32
      %ne3A_285 = arith.cmpi ne, %and3A_260, %and3A_121 : i32
      %eq3A_286 = arith.constant 0 : i32
      %eq3A_287 = arith.cmpi eq, %add3A_166, %eq3A_286 : i32
      %or3A_288 = arith.ori %ne3A_285, %eq3A_287 : i1
      %jit3A_289 = arith.constant 1 : i32
      %jit3A_290 = arith.constant 0 : i32
      %select_n3A_291 = arith.select %or3A_288, %jit3A_289, %jit3A_290 : i32
      %select_n3A_292 = arith.select %or3A_288, %mul3A_284, %select_n3A_162 : i32
      %ne3A_293 = arith.cmpi ne, %and3A_262, %and3A_260 : i32
      %add3A_294 = arith.addi %mul3A_284, %select_n3A_291 : i32
      %select_n3A_295 = arith.select %ne3A_293, %add3A_294, %select_n3A_292 : i32
      %jit3A_296 = arith.constant 1 : i32
      %jit3A_297 = arith.constant 0 : i32
      %select_n3A_298 = arith.select %ne3A_293, %jit3A_296, %jit3A_297 : i32
      %add3A_299 = arith.addi %select_n3A_291, %select_n3A_298 : i32
      %ne3A_300 = arith.cmpi ne, %and3A_264, %and3A_262 : i32
      %add3A_301 = arith.addi %mul3A_284, %add3A_299 : i32
      %select_n3A_302 = arith.select %ne3A_300, %add3A_301, %select_n3A_295 : i32
      %jit3A_303 = arith.constant 1 : i32
      %jit3A_304 = arith.constant 0 : i32
      %select_n3A_305 = arith.select %ne3A_300, %jit3A_303, %jit3A_304 : i32
      %add3A_306 = arith.addi %add3A_299, %select_n3A_305 : i32
      %ne3A_307 = arith.cmpi ne, %and3A_266, %and3A_264 : i32
      %add3A_308 = arith.addi %mul3A_284, %add3A_306 : i32
      %select_n3A_309 = arith.select %ne3A_307, %add3A_308, %select_n3A_302 : i32
      %jit3A_310 = arith.constant 1 : i32
      %jit3A_311 = arith.constant 0 : i32
      %select_n3A_312 = arith.select %ne3A_307, %jit3A_310, %jit3A_311 : i32
      %add3A_313 = arith.addi %add3A_306, %select_n3A_312 : i32
      %add3A_314 = arith.constant 1 : i32
      %add3A_315 = arith.addi %scan3A_106, %add3A_314 : i32
      %jit3A_316 = arith.constant 3 : i32
      %eq3A_317 = arith.constant 0 : i32
      %eq3A_318 = arith.cmpi eq, %jit3A_316, %eq3A_317 : i32
      %jit3A_319 = arith.constant 1 : i32
      %select_n3A_320 = arith.select %eq3A_318, %jit3A_319, %jit3A_316 : i32
      %rem3A_321 = arith.remsi %add3A_315, %select_n3A_320 : i32
      %ne3A_322 = arith.constant 0 : i32
      %ne3A_323 = arith.cmpi ne, %rem3A_321, %ne3A_322 : i32
      %lt3A_324 = arith.constant 0 : i32
      %lt3A_325 = arith.cmpi slt, %rem3A_321, %lt3A_324 : i32
      %lt3A_326 = arith.constant 0 : i32
      %lt3A_327 = arith.cmpi slt, %select_n3A_320, %lt3A_326 : i32
      %ne3A_328 = arith.xori %lt3A_325, %lt3A_327 : i1
      %and3A_329 = arith.andi %ne3A_328, %ne3A_323 : i1
      %add3A_330 = arith.addi %rem3A_321, %select_n3A_320 : i32
      %select_n3A_331 = arith.select %and3A_329, %add3A_330, %rem3A_321 : i32
      %eq3A_332 = arith.constant 0 : i32
      %eq3A_333 = arith.cmpi eq, %select_n3A_331, %eq3A_332 : i32
      %add3A_334 = arith.constant 1 : i32
      %add3A_335 = arith.addi %scan3A_106, %add3A_334 : i32
      %lt3A_336 = arith.constant 128 : i32
      %lt3A_337 = arith.cmpi slt, %add3A_335, %lt3A_336 : i32
      %and3A_338 = arith.andi %eq3A_333, %lt3A_337 : i1
      %convert_element_type3A_339 = arith.extui %and3A_338 : i1 to i32
      %cond3A_340 = arith.constant 0 : i32
      %cond3A_341 = arith.cmpi ne, %convert_element_type3A_339, %cond3A_340 : i32
      scf.if %cond3A_341 {
        %convert_element_type3A_771 = arith.extui %or3A_288 : i1 to i32
        %cond3A_772 = arith.constant 0 : i32
        %cond3A_773 = arith.cmpi ne, %convert_element_type3A_771, %cond3A_772 : i32
        scf.if %cond3A_773 {
          %multiple_of3A_783 = tpu.assume_multiple %and3A_260, 128 : i32
          %dma_start3A = arith.constant 0 : i32
          %dma_start3A_784 = arith.constant 0 : i32
          %dma_start3A_785 = tpu.memref_slice %arg8[%select_n3A_292, %dma_start3A, %dma_start3A_784] : memref<12x64x128xf32, #tpu.memory_space<vmem>> -> memref<1x64x128xf32, #tpu.memory_space<vmem>>
          %dma_start3A_786 = tpu.memref_squeeze %dma_start3A_785 : memref<1x64x128xf32, #tpu.memory_space<vmem>> -> memref<64x128xf32, #tpu.memory_space<vmem>>
          %dma_start3A_787 = arith.constant 0 : i32
          %dma_start3A_788 = tpu.memref_slice %arg2[%dma_start3A_787, %multiple_of3A_783] : memref<64x1000000xf32, #tpu.memory_space<hbm>> -> memref<64x128xf32, #tpu.memory_space<hbm>>
          %dma_start3A_789 = arith.constant 0 : i32
          %dma_start3A_790 = arith.constant 0 : i32
          %dma_start3A_791 = tpu.memref_slice %arg8[%select_n3A_292, %dma_start3A_789, %dma_start3A_790] : memref<12x64x128xf32, #tpu.memory_space<vmem>> -> memref<1x64x128xf32, #tpu.memory_space<vmem>>
          %dma_start3A_792 = tpu.memref_squeeze %dma_start3A_791 : memref<1x64x128xf32, #tpu.memory_space<vmem>> -> memref<64x128xf32, #tpu.memory_space<vmem>>
          %dma_start3A_793 = arith.constant 0 : i32
          %dma_start3A_794 = tpu.memref_slice %arg2[%dma_start3A_793, %multiple_of3A_783] : memref<64x1000000xf32, #tpu.memory_space<hbm>> -> memref<64x128xf32, #tpu.memory_space<hbm>>
          tpu.enqueue_dma source(%dma_start3A_794 : memref<64x128xf32, #tpu.memory_space<hbm>>) target(%dma_start3A_792 : memref<64x128xf32, #tpu.memory_space<vmem>>) target_semaphore(%arg10 : memref<!tpu.dma_semaphore, #tpu.memory_space<semaphore_mem>>)
        } else {
        }
        %convert_element_type3A_774 = arith.extui %ne3A_293 : i1 to i32
        %cond3A_775 = arith.constant 0 : i32
        %cond3A_776 = arith.cmpi ne, %convert_element_type3A_774, %cond3A_775 : i32
        scf.if %cond3A_776 {
          %multiple_of3A_783 = tpu.assume_multiple %and3A_262, 128 : i32
          %dma_start3A = arith.constant 0 : i32
          %dma_start3A_784 = arith.constant 0 : i32
          %dma_start3A_785 = tpu.memref_slice %arg8[%select_n3A_295, %dma_start3A, %dma_start3A_784] : memref<12x64x128xf32, #tpu.memory_space<vmem>> -> memref<1x64x128xf32, #tpu.memory_space<vmem>>
          %dma_start3A_786 = tpu.memref_squeeze %dma_start3A_785 : memref<1x64x128xf32, #tpu.memory_space<vmem>> -> memref<64x128xf32, #tpu.memory_space<vmem>>
          %dma_start3A_787 = arith.constant 0 : i32
          %dma_start3A_788 = tpu.memref_slice %arg2[%dma_start3A_787, %multiple_of3A_783] : memref<64x1000000xf32, #tpu.memory_space<hbm>> -> memref<64x128xf32, #tpu.memory_space<hbm>>
          %dma_start3A_789 = arith.constant 0 : i32
          %dma_start3A_790 = arith.constant 0 : i32
          %dma_start3A_791 = tpu.memref_slice %arg8[%select_n3A_295, %dma_start3A_789, %dma_start3A_790] : memref<12x64x128xf32, #tpu.memory_space<vmem>> -> memref<1x64x128xf32, #tpu.memory_space<vmem>>
          %dma_start3A_792 = tpu.memref_squeeze %dma_start3A_791 : memref<1x64x128xf32, #tpu.memory_space<vmem>> -> memref<64x128xf32, #tpu.memory_space<vmem>>
          %dma_start3A_793 = arith.constant 0 : i32
          %dma_start3A_794 = tpu.memref_slice %arg2[%dma_start3A_793, %multiple_of3A_783] : memref<64x1000000xf32, #tpu.memory_space<hbm>> -> memref<64x128xf32, #tpu.memory_space<hbm>>
          tpu.enqueue_dma source(%dma_start3A_794 : memref<64x128xf32, #tpu.memory_space<hbm>>) target(%dma_start3A_792 : memref<64x128xf32, #tpu.memory_space<vmem>>) target_semaphore(%arg10 : memref<!tpu.dma_semaphore, #tpu.memory_space<semaphore_mem>>)
        } else {
        }
        %convert_element_type3A_777 = arith.extui %ne3A_300 : i1 to i32
        %cond3A_778 = arith.constant 0 : i32
        %cond3A_779 = arith.cmpi ne, %convert_element_type3A_777, %cond3A_778 : i32
        scf.if %cond3A_779 {
          %multiple_of3A_783 = tpu.assume_multiple %and3A_264, 128 : i32
          %dma_start3A = arith.constant 0 : i32
          %dma_start3A_784 = arith.constant 0 : i32
          %dma_start3A_785 = tpu.memref_slice %arg8[%select_n3A_302, %dma_start3A, %dma_start3A_784] : memref<12x64x128xf32, #tpu.memory_space<vmem>> -> memref<1x64x128xf32, #tpu.memory_space<vmem>>
          %dma_start3A_786 = tpu.memref_squeeze %dma_start3A_785 : memref<1x64x128xf32, #tpu.memory_space<vmem>> -> memref<64x128xf32, #tpu.memory_space<vmem>>
          %dma_start3A_787 = arith.constant 0 : i32
          %dma_start3A_788 = tpu.memref_slice %arg2[%dma_start3A_787, %multiple_of3A_783] : memref<64x1000000xf32, #tpu.memory_space<hbm>> -> memref<64x128xf32, #tpu.memory_space<hbm>>
          %dma_start3A_789 = arith.constant 0 : i32
          %dma_start3A_790 = arith.constant 0 : i32
          %dma_start3A_791 = tpu.memref_slice %arg8[%select_n3A_302, %dma_start3A_789, %dma_start3A_790] : memref<12x64x128xf32, #tpu.memory_space<vmem>> -> memref<1x64x128xf32, #tpu.memory_space<vmem>>
          %dma_start3A_792 = tpu.memref_squeeze %dma_start3A_791 : memref<1x64x128xf32, #tpu.memory_space<vmem>> -> memref<64x128xf32, #tpu.memory_space<vmem>>
          %dma_start3A_793 = arith.constant 0 : i32
          %dma_start3A_794 = tpu.memref_slice %arg2[%dma_start3A_793, %multiple_of3A_783] : memref<64x1000000xf32, #tpu.memory_space<hbm>> -> memref<64x128xf32, #tpu.memory_space<hbm>>
          tpu.enqueue_dma source(%dma_start3A_794 : memref<64x128xf32, #tpu.memory_space<hbm>>) target(%dma_start3A_792 : memref<64x128xf32, #tpu.memory_space<vmem>>) target_semaphore(%arg10 : memref<!tpu.dma_semaphore, #tpu.memory_space<semaphore_mem>>)
        } else {
        }
        %convert_element_type3A_780 = arith.extui %ne3A_307 : i1 to i32
        %cond3A_781 = arith.constant 0 : i32
        %cond3A_782 = arith.cmpi ne, %convert_element_type3A_780, %cond3A_781 : i32
        scf.if %cond3A_782 {
          %multiple_of3A_783 = tpu.assume_multiple %and3A_266, 128 : i32
          %dma_start3A = arith.constant 0 : i32
          %dma_start3A_784 = arith.constant 0 : i32
          %dma_start3A_785 = tpu.memref_slice %arg8[%select_n3A_309, %dma_start3A, %dma_start3A_784] : memref<12x64x128xf32, #tpu.memory_space<vmem>> -> memref<1x64x128xf32, #tpu.memory_space<vmem>>
          %dma_start3A_786 = tpu.memref_squeeze %dma_start3A_785 : memref<1x64x128xf32, #tpu.memory_space<vmem>> -> memref<64x128xf32, #tpu.memory_space<vmem>>
          %dma_start3A_787 = arith.constant 0 : i32
          %dma_start3A_788 = tpu.memref_slice %arg2[%dma_start3A_787, %multiple_of3A_783] : memref<64x1000000xf32, #tpu.memory_space<hbm>> -> memref<64x128xf32, #tpu.memory_space<hbm>>
          %dma_start3A_789 = arith.constant 0 : i32
          %dma_start3A_790 = arith.constant 0 : i32
          %dma_start3A_791 = tpu.memref_slice %arg8[%select_n3A_309, %dma_start3A_789, %dma_start3A_790] : memref<12x64x128xf32, #tpu.memory_space<vmem>> -> memref<1x64x128xf32, #tpu.memory_space<vmem>>
          %dma_start3A_792 = tpu.memref_squeeze %dma_start3A_791 : memref<1x64x128xf32, #tpu.memory_space<vmem>> -> memref<64x128xf32, #tpu.memory_space<vmem>>
          %dma_start3A_793 = arith.constant 0 : i32
          %dma_start3A_794 = tpu.memref_slice %arg2[%dma_start3A_793, %multiple_of3A_783] : memref<64x1000000xf32, #tpu.memory_space<hbm>> -> memref<64x128xf32, #tpu.memory_space<hbm>>
          tpu.enqueue_dma source(%dma_start3A_794 : memref<64x128xf32, #tpu.memory_space<hbm>>) target(%dma_start3A_792 : memref<64x128xf32, #tpu.memory_space<vmem>>) target_semaphore(%arg10 : memref<!tpu.dma_semaphore, #tpu.memory_space<semaphore_mem>>)
        } else {
        }
      } else {
      }
      %add3A_342 = arith.constant 1 : i32
      %add3A_343 = arith.addi %scan3A_106, %add3A_342 : i32
      %jit3A_344 = arith.constant 3 : i32
      %eq3A_345 = arith.constant 0 : i32
      %eq3A_346 = arith.cmpi eq, %jit3A_344, %eq3A_345 : i32
      %jit3A_347 = arith.constant 1 : i32
      %select_n3A_348 = arith.select %eq3A_346, %jit3A_347, %jit3A_344 : i32
      %rem3A_349 = arith.remsi %add3A_343, %select_n3A_348 : i32
      %ne3A_350 = arith.constant 0 : i32
      %ne3A_351 = arith.cmpi ne, %rem3A_349, %ne3A_350 : i32
      %lt3A_352 = arith.constant 0 : i32
      %lt3A_353 = arith.cmpi slt, %rem3A_349, %lt3A_352 : i32
      %lt3A_354 = arith.constant 0 : i32
      %lt3A_355 = arith.cmpi slt, %select_n3A_348, %lt3A_354 : i32
      %ne3A_356 = arith.xori %lt3A_353, %lt3A_355 : i1
      %and3A_357 = arith.andi %ne3A_356, %ne3A_351 : i1
      %add3A_358 = arith.addi %rem3A_349, %select_n3A_348 : i32
      %select_n3A_359 = arith.select %and3A_357, %add3A_358, %rem3A_349 : i32
      %eq3A_360 = arith.constant 1 : i32
      %eq3A_361 = arith.cmpi eq, %select_n3A_359, %eq3A_360 : i32
      %add3A_362 = arith.constant 1 : i32
      %add3A_363 = arith.addi %scan3A_106, %add3A_362 : i32
      %lt3A_364 = arith.constant 128 : i32
      %lt3A_365 = arith.cmpi slt, %add3A_363, %lt3A_364 : i32
      %and3A_366 = arith.andi %eq3A_361, %lt3A_365 : i1
      %convert_element_type3A_367 = arith.extui %and3A_366 : i1 to i32
      %cond3A_368 = arith.constant 0 : i32
      %cond3A_369 = arith.cmpi ne, %convert_element_type3A_367, %cond3A_368 : i32
      scf.if %cond3A_369 {
        %convert_element_type3A_771 = arith.extui %or3A_288 : i1 to i32
        %cond3A_772 = arith.constant 0 : i32
        %cond3A_773 = arith.cmpi ne, %convert_element_type3A_771, %cond3A_772 : i32
        scf.if %cond3A_773 {
          %multiple_of3A_783 = tpu.assume_multiple %and3A_260, 128 : i32
          %dma_start3A = arith.constant 0 : i32
          %dma_start3A_784 = arith.constant 0 : i32
          %dma_start3A_785 = tpu.memref_slice %arg8[%select_n3A_292, %dma_start3A, %dma_start3A_784] : memref<12x64x128xf32, #tpu.memory_space<vmem>> -> memref<1x64x128xf32, #tpu.memory_space<vmem>>
          %dma_start3A_786 = tpu.memref_squeeze %dma_start3A_785 : memref<1x64x128xf32, #tpu.memory_space<vmem>> -> memref<64x128xf32, #tpu.memory_space<vmem>>
          %dma_start3A_787 = arith.constant 0 : i32
          %dma_start3A_788 = tpu.memref_slice %arg2[%dma_start3A_787, %multiple_of3A_783] : memref<64x1000000xf32, #tpu.memory_space<hbm>> -> memref<64x128xf32, #tpu.memory_space<hbm>>
          %dma_start3A_789 = arith.constant 0 : i32
          %dma_start3A_790 = arith.constant 0 : i32
          %dma_start3A_791 = tpu.memref_slice %arg8[%select_n3A_292, %dma_start3A_789, %dma_start3A_790] : memref<12x64x128xf32, #tpu.memory_space<vmem>> -> memref<1x64x128xf32, #tpu.memory_space<vmem>>
          %dma_start3A_792 = tpu.memref_squeeze %dma_start3A_791 : memref<1x64x128xf32, #tpu.memory_space<vmem>> -> memref<64x128xf32, #tpu.memory_space<vmem>>
          %dma_start3A_793 = arith.constant 0 : i32
          %dma_start3A_794 = tpu.memref_slice %arg2[%dma_start3A_793, %multiple_of3A_783] : memref<64x1000000xf32, #tpu.memory_space<hbm>> -> memref<64x128xf32, #tpu.memory_space<hbm>>
          tpu.enqueue_dma source(%dma_start3A_794 : memref<64x128xf32, #tpu.memory_space<hbm>>) target(%dma_start3A_792 : memref<64x128xf32, #tpu.memory_space<vmem>>) target_semaphore(%arg11 : memref<!tpu.dma_semaphore, #tpu.memory_space<semaphore_mem>>)
        } else {
        }
        %convert_element_type3A_774 = arith.extui %ne3A_293 : i1 to i32
        %cond3A_775 = arith.constant 0 : i32
        %cond3A_776 = arith.cmpi ne, %convert_element_type3A_774, %cond3A_775 : i32
        scf.if %cond3A_776 {
          %multiple_of3A_783 = tpu.assume_multiple %and3A_262, 128 : i32
          %dma_start3A = arith.constant 0 : i32
          %dma_start3A_784 = arith.constant 0 : i32
          %dma_start3A_785 = tpu.memref_slice %arg8[%select_n3A_295, %dma_start3A, %dma_start3A_784] : memref<12x64x128xf32, #tpu.memory_space<vmem>> -> memref<1x64x128xf32, #tpu.memory_space<vmem>>
          %dma_start3A_786 = tpu.memref_squeeze %dma_start3A_785 : memref<1x64x128xf32, #tpu.memory_space<vmem>> -> memref<64x128xf32, #tpu.memory_space<vmem>>
          %dma_start3A_787 = arith.constant 0 : i32
          %dma_start3A_788 = tpu.memref_slice %arg2[%dma_start3A_787, %multiple_of3A_783] : memref<64x1000000xf32, #tpu.memory_space<hbm>> -> memref<64x128xf32, #tpu.memory_space<hbm>>
          %dma_start3A_789 = arith.constant 0 : i32
          %dma_start3A_790 = arith.constant 0 : i32
          %dma_start3A_791 = tpu.memref_slice %arg8[%select_n3A_295, %dma_start3A_789, %dma_start3A_790] : memref<12x64x128xf32, #tpu.memory_space<vmem>> -> memref<1x64x128xf32, #tpu.memory_space<vmem>>
          %dma_start3A_792 = tpu.memref_squeeze %dma_start3A_791 : memref<1x64x128xf32, #tpu.memory_space<vmem>> -> memref<64x128xf32, #tpu.memory_space<vmem>>
          %dma_start3A_793 = arith.constant 0 : i32
          %dma_start3A_794 = tpu.memref_slice %arg2[%dma_start3A_793, %multiple_of3A_783] : memref<64x1000000xf32, #tpu.memory_space<hbm>> -> memref<64x128xf32, #tpu.memory_space<hbm>>
          tpu.enqueue_dma source(%dma_start3A_794 : memref<64x128xf32, #tpu.memory_space<hbm>>) target(%dma_start3A_792 : memref<64x128xf32, #tpu.memory_space<vmem>>) target_semaphore(%arg11 : memref<!tpu.dma_semaphore, #tpu.memory_space<semaphore_mem>>)
        } else {
        }
        %convert_element_type3A_777 = arith.extui %ne3A_300 : i1 to i32
        %cond3A_778 = arith.constant 0 : i32
        %cond3A_779 = arith.cmpi ne, %convert_element_type3A_777, %cond3A_778 : i32
        scf.if %cond3A_779 {
          %multiple_of3A_783 = tpu.assume_multiple %and3A_264, 128 : i32
          %dma_start3A = arith.constant 0 : i32
          %dma_start3A_784 = arith.constant 0 : i32
          %dma_start3A_785 = tpu.memref_slice %arg8[%select_n3A_302, %dma_start3A, %dma_start3A_784] : memref<12x64x128xf32, #tpu.memory_space<vmem>> -> memref<1x64x128xf32, #tpu.memory_space<vmem>>
          %dma_start3A_786 = tpu.memref_squeeze %dma_start3A_785 : memref<1x64x128xf32, #tpu.memory_space<vmem>> -> memref<64x128xf32, #tpu.memory_space<vmem>>
          %dma_start3A_787 = arith.constant 0 : i32
          %dma_start3A_788 = tpu.memref_slice %arg2[%dma_start3A_787, %multiple_of3A_783] : memref<64x1000000xf32, #tpu.memory_space<hbm>> -> memref<64x128xf32, #tpu.memory_space<hbm>>
          %dma_start3A_789 = arith.constant 0 : i32
          %dma_start3A_790 = arith.constant 0 : i32
          %dma_start3A_791 = tpu.memref_slice %arg8[%select_n3A_302, %dma_start3A_789, %dma_start3A_790] : memref<12x64x128xf32, #tpu.memory_space<vmem>> -> memref<1x64x128xf32, #tpu.memory_space<vmem>>
          %dma_start3A_792 = tpu.memref_squeeze %dma_start3A_791 : memref<1x64x128xf32, #tpu.memory_space<vmem>> -> memref<64x128xf32, #tpu.memory_space<vmem>>
          %dma_start3A_793 = arith.constant 0 : i32
          %dma_start3A_794 = tpu.memref_slice %arg2[%dma_start3A_793, %multiple_of3A_783] : memref<64x1000000xf32, #tpu.memory_space<hbm>> -> memref<64x128xf32, #tpu.memory_space<hbm>>
          tpu.enqueue_dma source(%dma_start3A_794 : memref<64x128xf32, #tpu.memory_space<hbm>>) target(%dma_start3A_792 : memref<64x128xf32, #tpu.memory_space<vmem>>) target_semaphore(%arg11 : memref<!tpu.dma_semaphore, #tpu.memory_space<semaphore_mem>>)
        } else {
        }
        %convert_element_type3A_780 = arith.extui %ne3A_307 : i1 to i32
        %cond3A_781 = arith.constant 0 : i32
        %cond3A_782 = arith.cmpi ne, %convert_element_type3A_780, %cond3A_781 : i32
        scf.if %cond3A_782 {
          %multiple_of3A_783 = tpu.assume_multiple %and3A_266, 128 : i32
          %dma_start3A = arith.constant 0 : i32
          %dma_start3A_784 = arith.constant 0 : i32
          %dma_start3A_785 = tpu.memref_slice %arg8[%select_n3A_309, %dma_start3A, %dma_start3A_784] : memref<12x64x128xf32, #tpu.memory_space<vmem>> -> memref<1x64x128xf32, #tpu.memory_space<vmem>>
          %dma_start3A_786 = tpu.memref_squeeze %dma_start3A_785 : memref<1x64x128xf32, #tpu.memory_space<vmem>> -> memref<64x128xf32, #tpu.memory_space<vmem>>
          %dma_start3A_787 = arith.constant 0 : i32
          %dma_start3A_788 = tpu.memref_slice %arg2[%dma_start3A_787, %multiple_of3A_783] : memref<64x1000000xf32, #tpu.memory_space<hbm>> -> memref<64x128xf32, #tpu.memory_space<hbm>>
          %dma_start3A_789 = arith.constant 0 : i32
          %dma_start3A_790 = arith.constant 0 : i32
          %dma_start3A_791 = tpu.memref_slice %arg8[%select_n3A_309, %dma_start3A_789, %dma_start3A_790] : memref<12x64x128xf32, #tpu.memory_space<vmem>> -> memref<1x64x128xf32, #tpu.memory_space<vmem>>
          %dma_start3A_792 = tpu.memref_squeeze %dma_start3A_791 : memref<1x64x128xf32, #tpu.memory_space<vmem>> -> memref<64x128xf32, #tpu.memory_space<vmem>>
          %dma_start3A_793 = arith.constant 0 : i32
          %dma_start3A_794 = tpu.memref_slice %arg2[%dma_start3A_793, %multiple_of3A_783] : memref<64x1000000xf32, #tpu.memory_space<hbm>> -> memref<64x128xf32, #tpu.memory_space<hbm>>
          tpu.enqueue_dma source(%dma_start3A_794 : memref<64x128xf32, #tpu.memory_space<hbm>>) target(%dma_start3A_792 : memref<64x128xf32, #tpu.memory_space<vmem>>) target_semaphore(%arg11 : memref<!tpu.dma_semaphore, #tpu.memory_space<semaphore_mem>>)
        } else {
        }
      } else {
      }
      %add3A_370 = arith.constant 1 : i32
      %add3A_371 = arith.addi %scan3A_106, %add3A_370 : i32
      %jit3A_372 = arith.constant 3 : i32
      %eq3A_373 = arith.constant 0 : i32
      %eq3A_374 = arith.cmpi eq, %jit3A_372, %eq3A_373 : i32
      %jit3A_375 = arith.constant 1 : i32
      %select_n3A_376 = arith.select %eq3A_374, %jit3A_375, %jit3A_372 : i32
      %rem3A_377 = arith.remsi %add3A_371, %select_n3A_376 : i32
      %ne3A_378 = arith.constant 0 : i32
      %ne3A_379 = arith.cmpi ne, %rem3A_377, %ne3A_378 : i32
      %lt3A_380 = arith.constant 0 : i32
      %lt3A_381 = arith.cmpi slt, %rem3A_377, %lt3A_380 : i32
      %lt3A_382 = arith.constant 0 : i32
      %lt3A_383 = arith.cmpi slt, %select_n3A_376, %lt3A_382 : i32
      %ne3A_384 = arith.xori %lt3A_381, %lt3A_383 : i1
      %and3A_385 = arith.andi %ne3A_384, %ne3A_379 : i1
      %add3A_386 = arith.addi %rem3A_377, %select_n3A_376 : i32
      %select_n3A_387 = arith.select %and3A_385, %add3A_386, %rem3A_377 : i32
      %eq3A_388 = arith.constant 2 : i32
      %eq3A_389 = arith.cmpi eq, %select_n3A_387, %eq3A_388 : i32
      %add3A_390 = arith.constant 1 : i32
      %add3A_391 = arith.addi %scan3A_106, %add3A_390 : i32
      %lt3A_392 = arith.constant 128 : i32
      %lt3A_393 = arith.cmpi slt, %add3A_391, %lt3A_392 : i32
      %and3A_394 = arith.andi %eq3A_389, %lt3A_393 : i1
      %convert_element_type3A_395 = arith.extui %and3A_394 : i1 to i32
      %cond3A_396 = arith.constant 0 : i32
      %cond3A_397 = arith.cmpi ne, %convert_element_type3A_395, %cond3A_396 : i32
      scf.if %cond3A_397 {
        %convert_element_type3A_771 = arith.extui %or3A_288 : i1 to i32
        %cond3A_772 = arith.constant 0 : i32
        %cond3A_773 = arith.cmpi ne, %convert_element_type3A_771, %cond3A_772 : i32
        scf.if %cond3A_773 {
          %multiple_of3A_783 = tpu.assume_multiple %and3A_260, 128 : i32
          %dma_start3A = arith.constant 0 : i32
          %dma_start3A_784 = arith.constant 0 : i32
          %dma_start3A_785 = tpu.memref_slice %arg8[%select_n3A_292, %dma_start3A, %dma_start3A_784] : memref<12x64x128xf32, #tpu.memory_space<vmem>> -> memref<1x64x128xf32, #tpu.memory_space<vmem>>
          %dma_start3A_786 = tpu.memref_squeeze %dma_start3A_785 : memref<1x64x128xf32, #tpu.memory_space<vmem>> -> memref<64x128xf32, #tpu.memory_space<vmem>>
          %dma_start3A_787 = arith.constant 0 : i32
          %dma_start3A_788 = tpu.memref_slice %arg2[%dma_start3A_787, %multiple_of3A_783] : memref<64x1000000xf32, #tpu.memory_space<hbm>> -> memref<64x128xf32, #tpu.memory_space<hbm>>
          %dma_start3A_789 = arith.constant 0 : i32
          %dma_start3A_790 = arith.constant 0 : i32
          %dma_start3A_791 = tpu.memref_slice %arg8[%select_n3A_292, %dma_start3A_789, %dma_start3A_790] : memref<12x64x128xf32, #tpu.memory_space<vmem>> -> memref<1x64x128xf32, #tpu.memory_space<vmem>>
          %dma_start3A_792 = tpu.memref_squeeze %dma_start3A_791 : memref<1x64x128xf32, #tpu.memory_space<vmem>> -> memref<64x128xf32, #tpu.memory_space<vmem>>
          %dma_start3A_793 = arith.constant 0 : i32
          %dma_start3A_794 = tpu.memref_slice %arg2[%dma_start3A_793, %multiple_of3A_783] : memref<64x1000000xf32, #tpu.memory_space<hbm>> -> memref<64x128xf32, #tpu.memory_space<hbm>>
          tpu.enqueue_dma source(%dma_start3A_794 : memref<64x128xf32, #tpu.memory_space<hbm>>) target(%dma_start3A_792 : memref<64x128xf32, #tpu.memory_space<vmem>>) target_semaphore(%arg12 : memref<!tpu.dma_semaphore, #tpu.memory_space<semaphore_mem>>)
        } else {
        }
        %convert_element_type3A_774 = arith.extui %ne3A_293 : i1 to i32
        %cond3A_775 = arith.constant 0 : i32
        %cond3A_776 = arith.cmpi ne, %convert_element_type3A_774, %cond3A_775 : i32
        scf.if %cond3A_776 {
          %multiple_of3A_783 = tpu.assume_multiple %and3A_262, 128 : i32
          %dma_start3A = arith.constant 0 : i32
          %dma_start3A_784 = arith.constant 0 : i32
          %dma_start3A_785 = tpu.memref_slice %arg8[%select_n3A_295, %dma_start3A, %dma_start3A_784] : memref<12x64x128xf32, #tpu.memory_space<vmem>> -> memref<1x64x128xf32, #tpu.memory_space<vmem>>
          %dma_start3A_786 = tpu.memref_squeeze %dma_start3A_785 : memref<1x64x128xf32, #tpu.memory_space<vmem>> -> memref<64x128xf32, #tpu.memory_space<vmem>>
          %dma_start3A_787 = arith.constant 0 : i32
          %dma_start3A_788 = tpu.memref_slice %arg2[%dma_start3A_787, %multiple_of3A_783] : memref<64x1000000xf32, #tpu.memory_space<hbm>> -> memref<64x128xf32, #tpu.memory_space<hbm>>
          %dma_start3A_789 = arith.constant 0 : i32
          %dma_start3A_790 = arith.constant 0 : i32
          %dma_start3A_791 = tpu.memref_slice %arg8[%select_n3A_295, %dma_start3A_789, %dma_start3A_790] : memref<12x64x128xf32, #tpu.memory_space<vmem>> -> memref<1x64x128xf32, #tpu.memory_space<vmem>>
          %dma_start3A_792 = tpu.memref_squeeze %dma_start3A_791 : memref<1x64x128xf32, #tpu.memory_space<vmem>> -> memref<64x128xf32, #tpu.memory_space<vmem>>
          %dma_start3A_793 = arith.constant 0 : i32
          %dma_start3A_794 = tpu.memref_slice %arg2[%dma_start3A_793, %multiple_of3A_783] : memref<64x1000000xf32, #tpu.memory_space<hbm>> -> memref<64x128xf32, #tpu.memory_space<hbm>>
          tpu.enqueue_dma source(%dma_start3A_794 : memref<64x128xf32, #tpu.memory_space<hbm>>) target(%dma_start3A_792 : memref<64x128xf32, #tpu.memory_space<vmem>>) target_semaphore(%arg12 : memref<!tpu.dma_semaphore, #tpu.memory_space<semaphore_mem>>)
        } else {
        }
        %convert_element_type3A_777 = arith.extui %ne3A_300 : i1 to i32
        %cond3A_778 = arith.constant 0 : i32
        %cond3A_779 = arith.cmpi ne, %convert_element_type3A_777, %cond3A_778 : i32
        scf.if %cond3A_779 {
          %multiple_of3A_783 = tpu.assume_multiple %and3A_264, 128 : i32
          %dma_start3A = arith.constant 0 : i32
          %dma_start3A_784 = arith.constant 0 : i32
          %dma_start3A_785 = tpu.memref_slice %arg8[%select_n3A_302, %dma_start3A, %dma_start3A_784] : memref<12x64x128xf32, #tpu.memory_space<vmem>> -> memref<1x64x128xf32, #tpu.memory_space<vmem>>
          %dma_start3A_786 = tpu.memref_squeeze %dma_start3A_785 : memref<1x64x128xf32, #tpu.memory_space<vmem>> -> memref<64x128xf32, #tpu.memory_space<vmem>>
          %dma_start3A_787 = arith.constant 0 : i32
          %dma_start3A_788 = tpu.memref_slice %arg2[%dma_start3A_787, %multiple_of3A_783] : memref<64x1000000xf32, #tpu.memory_space<hbm>> -> memref<64x128xf32, #tpu.memory_space<hbm>>
          %dma_start3A_789 = arith.constant 0 : i32
          %dma_start3A_790 = arith.constant 0 : i32
          %dma_start3A_791 = tpu.memref_slice %arg8[%select_n3A_302, %dma_start3A_789, %dma_start3A_790] : memref<12x64x128xf32, #tpu.memory_space<vmem>> -> memref<1x64x128xf32, #tpu.memory_space<vmem>>
          %dma_start3A_792 = tpu.memref_squeeze %dma_start3A_791 : memref<1x64x128xf32, #tpu.memory_space<vmem>> -> memref<64x128xf32, #tpu.memory_space<vmem>>
          %dma_start3A_793 = arith.constant 0 : i32
          %dma_start3A_794 = tpu.memref_slice %arg2[%dma_start3A_793, %multiple_of3A_783] : memref<64x1000000xf32, #tpu.memory_space<hbm>> -> memref<64x128xf32, #tpu.memory_space<hbm>>
          tpu.enqueue_dma source(%dma_start3A_794 : memref<64x128xf32, #tpu.memory_space<hbm>>) target(%dma_start3A_792 : memref<64x128xf32, #tpu.memory_space<vmem>>) target_semaphore(%arg12 : memref<!tpu.dma_semaphore, #tpu.memory_space<semaphore_mem>>)
        } else {
        }
        %convert_element_type3A_780 = arith.extui %ne3A_307 : i1 to i32
        %cond3A_781 = arith.constant 0 : i32
        %cond3A_782 = arith.cmpi ne, %convert_element_type3A_780, %cond3A_781 : i32
        scf.if %cond3A_782 {
          %multiple_of3A_783 = tpu.assume_multiple %and3A_266, 128 : i32
          %dma_start3A = arith.constant 0 : i32
          %dma_start3A_784 = arith.constant 0 : i32
          %dma_start3A_785 = tpu.memref_slice %arg8[%select_n3A_309, %dma_start3A, %dma_start3A_784] : memref<12x64x128xf32, #tpu.memory_space<vmem>> -> memref<1x64x128xf32, #tpu.memory_space<vmem>>
          %dma_start3A_786 = tpu.memref_squeeze %dma_start3A_785 : memref<1x64x128xf32, #tpu.memory_space<vmem>> -> memref<64x128xf32, #tpu.memory_space<vmem>>
          %dma_start3A_787 = arith.constant 0 : i32
          %dma_start3A_788 = tpu.memref_slice %arg2[%dma_start3A_787, %multiple_of3A_783] : memref<64x1000000xf32, #tpu.memory_space<hbm>> -> memref<64x128xf32, #tpu.memory_space<hbm>>
          %dma_start3A_789 = arith.constant 0 : i32
          %dma_start3A_790 = arith.constant 0 : i32
          %dma_start3A_791 = tpu.memref_slice %arg8[%select_n3A_309, %dma_start3A_789, %dma_start3A_790] : memref<12x64x128xf32, #tpu.memory_space<vmem>> -> memref<1x64x128xf32, #tpu.memory_space<vmem>>
          %dma_start3A_792 = tpu.memref_squeeze %dma_start3A_791 : memref<1x64x128xf32, #tpu.memory_space<vmem>> -> memref<64x128xf32, #tpu.memory_space<vmem>>
          %dma_start3A_793 = arith.constant 0 : i32
          %dma_start3A_794 = tpu.memref_slice %arg2[%dma_start3A_793, %multiple_of3A_783] : memref<64x1000000xf32, #tpu.memory_space<hbm>> -> memref<64x128xf32, #tpu.memory_space<hbm>>
          tpu.enqueue_dma source(%dma_start3A_794 : memref<64x128xf32, #tpu.memory_space<hbm>>) target(%dma_start3A_792 : memref<64x128xf32, #tpu.memory_space<vmem>>) target_semaphore(%arg12 : memref<!tpu.dma_semaphore, #tpu.memory_space<semaphore_mem>>)
        } else {
        }
      } else {
      }
      %jit3A_398 = arith.constant 3 : i32
      %eq3A_399 = arith.constant 0 : i32
      %eq3A_400 = arith.cmpi eq, %jit3A_398, %eq3A_399 : i32
      %jit3A_401 = arith.constant 1 : i32
      %select_n3A_402 = arith.select %eq3A_400, %jit3A_401, %jit3A_398 : i32
      %rem3A_403 = arith.remsi %scan3A_106, %select_n3A_402 : i32
      %ne3A_404 = arith.constant 0 : i32
      %ne3A_405 = arith.cmpi ne, %rem3A_403, %ne3A_404 : i32
      %lt3A_406 = arith.constant 0 : i32
      %lt3A_407 = arith.cmpi slt, %rem3A_403, %lt3A_406 : i32
      %lt3A_408 = arith.constant 0 : i32
      %lt3A_409 = arith.cmpi slt, %select_n3A_402, %lt3A_408 : i32
      %ne3A_410 = arith.xori %lt3A_407, %lt3A_409 : i1
      %and3A_411 = arith.andi %ne3A_410, %ne3A_405 : i1
      %add3A_412 = arith.addi %rem3A_403, %select_n3A_402 : i32
      %select_n3A_413 = arith.select %and3A_411, %add3A_412, %rem3A_403 : i32
      %eq3A_414 = arith.constant 0 : i32
      %eq3A_415 = arith.cmpi eq, %select_n3A_413, %eq3A_414 : i32
      %convert_element_type3A_416 = arith.extui %eq3A_415 : i1 to i32
      %cond3A_417 = arith.constant 0 : i32
      %cond3A_418 = arith.cmpi ne, %convert_element_type3A_416, %cond3A_417 : i32
      scf.if %cond3A_418 {
        %gt3A_771 = arith.constant 0 : i32
        %gt3A_772 = arith.cmpi sgt, %add3A_166, %gt3A_771 : i32
        %convert_element_type3A_773 = arith.extui %gt3A_772 : i1 to i32
        %cond3A_774 = arith.constant 0 : i32
        %cond3A_775 = arith.cmpi ne, %convert_element_type3A_773, %cond3A_774 : i32
        scf.if %cond3A_775 {
          %dma_wait3A_791 = arith.constant 0 : i32
          %dma_wait3A_792 = arith.constant 0 : i32
          %dma_wait3A_793 = arith.constant 0 : i32
          %dma_wait3A_794 = tpu.memref_slice %arg8[%dma_wait3A_791, %dma_wait3A_792, %dma_wait3A_793] : memref<12x64x128xf32, #tpu.memory_space<vmem>> -> memref<1x64x128xf32, #tpu.memory_space<vmem>>
          %dma_wait3A_795 = tpu.memref_squeeze %dma_wait3A_794 : memref<1x64x128xf32, #tpu.memory_space<vmem>> -> memref<64x128xf32, #tpu.memory_space<vmem>>
          %dma_wait3A_796 = arith.constant 0 : i32
          %dma_wait3A_797 = arith.constant 0 : i32
          %dma_wait3A_798 = tpu.memref_slice %arg2[%dma_wait3A_796, %dma_wait3A_797] : memref<64x1000000xf32, #tpu.memory_space<hbm>> -> memref<64x128xf32, #tpu.memory_space<hbm>>
          %dma_wait3A_799 = arith.constant 0 : i32
          %dma_wait3A_800 = arith.constant 0 : i32
          %dma_wait3A_801 = tpu.memref_slice %arg8[%dma_wait3A_791, %dma_wait3A_799, %dma_wait3A_800] : memref<12x64x128xf32, #tpu.memory_space<vmem>> -> memref<1x64x128xf32, #tpu.memory_space<vmem>>
          %dma_wait3A_802 = tpu.memref_squeeze %dma_wait3A_801 : memref<1x64x128xf32, #tpu.memory_space<vmem>> -> memref<64x128xf32, #tpu.memory_space<vmem>>
          %dma_wait3A_803 = arith.constant 0 : i32
          %dma_wait3A_804 = arith.constant 0 : i32
          %dma_wait3A_805 = tpu.memref_slice %arg2[%dma_wait3A_803, %dma_wait3A_804] : memref<64x1000000xf32, #tpu.memory_space<hbm>> -> memref<64x128xf32, #tpu.memory_space<hbm>>
          tpu.wait_dma2 semaphore(%arg10 : memref<!tpu.dma_semaphore, #tpu.memory_space<semaphore_mem>>) src(%dma_wait3A_805 : memref<64x128xf32, #tpu.memory_space<hbm>>) dst(%dma_wait3A_802 : memref<64x128xf32, #tpu.memory_space<vmem>>)
        } else {
        }
        %gt3A_776 = arith.constant 1 : i32
        %gt3A_777 = arith.cmpi sgt, %add3A_166, %gt3A_776 : i32
        %convert_element_type3A_778 = arith.extui %gt3A_777 : i1 to i32
        %cond3A_779 = arith.constant 0 : i32
        %cond3A_780 = arith.cmpi ne, %convert_element_type3A_778, %cond3A_779 : i32
        scf.if %cond3A_780 {
          %dma_wait3A_791 = arith.constant 1 : i32
          %dma_wait3A_792 = arith.constant 0 : i32
          %dma_wait3A_793 = arith.constant 0 : i32
          %dma_wait3A_794 = tpu.memref_slice %arg8[%dma_wait3A_791, %dma_wait3A_792, %dma_wait3A_793] : memref<12x64x128xf32, #tpu.memory_space<vmem>> -> memref<1x64x128xf32, #tpu.memory_space<vmem>>
          %dma_wait3A_795 = tpu.memref_squeeze %dma_wait3A_794 : memref<1x64x128xf32, #tpu.memory_space<vmem>> -> memref<64x128xf32, #tpu.memory_space<vmem>>
          %dma_wait3A_796 = arith.constant 0 : i32
          %dma_wait3A_797 = arith.constant 0 : i32
          %dma_wait3A_798 = tpu.memref_slice %arg2[%dma_wait3A_796, %dma_wait3A_797] : memref<64x1000000xf32, #tpu.memory_space<hbm>> -> memref<64x128xf32, #tpu.memory_space<hbm>>
          %dma_wait3A_799 = arith.constant 0 : i32
          %dma_wait3A_800 = arith.constant 0 : i32
          %dma_wait3A_801 = tpu.memref_slice %arg8[%dma_wait3A_791, %dma_wait3A_799, %dma_wait3A_800] : memref<12x64x128xf32, #tpu.memory_space<vmem>> -> memref<1x64x128xf32, #tpu.memory_space<vmem>>
          %dma_wait3A_802 = tpu.memref_squeeze %dma_wait3A_801 : memref<1x64x128xf32, #tpu.memory_space<vmem>> -> memref<64x128xf32, #tpu.memory_space<vmem>>
          %dma_wait3A_803 = arith.constant 0 : i32
          %dma_wait3A_804 = arith.constant 0 : i32
          %dma_wait3A_805 = tpu.memref_slice %arg2[%dma_wait3A_803, %dma_wait3A_804] : memref<64x1000000xf32, #tpu.memory_space<hbm>> -> memref<64x128xf32, #tpu.memory_space<hbm>>
          tpu.wait_dma2 semaphore(%arg10 : memref<!tpu.dma_semaphore, #tpu.memory_space<semaphore_mem>>) src(%dma_wait3A_805 : memref<64x128xf32, #tpu.memory_space<hbm>>) dst(%dma_wait3A_802 : memref<64x128xf32, #tpu.memory_space<vmem>>)
        } else {
        }
        %gt3A_781 = arith.constant 2 : i32
        %gt3A_782 = arith.cmpi sgt, %add3A_166, %gt3A_781 : i32
        %convert_element_type3A_783 = arith.extui %gt3A_782 : i1 to i32
        %cond3A_784 = arith.constant 0 : i32
        %cond3A_785 = arith.cmpi ne, %convert_element_type3A_783, %cond3A_784 : i32
        scf.if %cond3A_785 {
          %dma_wait3A_791 = arith.constant 2 : i32
          %dma_wait3A_792 = arith.constant 0 : i32
          %dma_wait3A_793 = arith.constant 0 : i32
          %dma_wait3A_794 = tpu.memref_slice %arg8[%dma_wait3A_791, %dma_wait3A_792, %dma_wait3A_793] : memref<12x64x128xf32, #tpu.memory_space<vmem>> -> memref<1x64x128xf32, #tpu.memory_space<vmem>>
          %dma_wait3A_795 = tpu.memref_squeeze %dma_wait3A_794 : memref<1x64x128xf32, #tpu.memory_space<vmem>> -> memref<64x128xf32, #tpu.memory_space<vmem>>
          %dma_wait3A_796 = arith.constant 0 : i32
          %dma_wait3A_797 = arith.constant 0 : i32
          %dma_wait3A_798 = tpu.memref_slice %arg2[%dma_wait3A_796, %dma_wait3A_797] : memref<64x1000000xf32, #tpu.memory_space<hbm>> -> memref<64x128xf32, #tpu.memory_space<hbm>>
          %dma_wait3A_799 = arith.constant 0 : i32
          %dma_wait3A_800 = arith.constant 0 : i32
          %dma_wait3A_801 = tpu.memref_slice %arg8[%dma_wait3A_791, %dma_wait3A_799, %dma_wait3A_800] : memref<12x64x128xf32, #tpu.memory_space<vmem>> -> memref<1x64x128xf32, #tpu.memory_space<vmem>>
          %dma_wait3A_802 = tpu.memref_squeeze %dma_wait3A_801 : memref<1x64x128xf32, #tpu.memory_space<vmem>> -> memref<64x128xf32, #tpu.memory_space<vmem>>
          %dma_wait3A_803 = arith.constant 0 : i32
          %dma_wait3A_804 = arith.constant 0 : i32
          %dma_wait3A_805 = tpu.memref_slice %arg2[%dma_wait3A_803, %dma_wait3A_804] : memref<64x1000000xf32, #tpu.memory_space<hbm>> -> memref<64x128xf32, #tpu.memory_space<hbm>>
          tpu.wait_dma2 semaphore(%arg10 : memref<!tpu.dma_semaphore, #tpu.memory_space<semaphore_mem>>) src(%dma_wait3A_805 : memref<64x128xf32, #tpu.memory_space<hbm>>) dst(%dma_wait3A_802 : memref<64x128xf32, #tpu.memory_space<vmem>>)
        } else {
        }
        %gt3A_786 = arith.constant 3 : i32
        %gt3A_787 = arith.cmpi sgt, %add3A_166, %gt3A_786 : i32
        %convert_element_type3A_788 = arith.extui %gt3A_787 : i1 to i32
        %cond3A_789 = arith.constant 0 : i32
        %cond3A_790 = arith.cmpi ne, %convert_element_type3A_788, %cond3A_789 : i32
        scf.if %cond3A_790 {
          %dma_wait3A_791 = arith.constant 3 : i32
          %dma_wait3A_792 = arith.constant 0 : i32
          %dma_wait3A_793 = arith.constant 0 : i32
          %dma_wait3A_794 = tpu.memref_slice %arg8[%dma_wait3A_791, %dma_wait3A_792, %dma_wait3A_793] : memref<12x64x128xf32, #tpu.memory_space<vmem>> -> memref<1x64x128xf32, #tpu.memory_space<vmem>>
          %dma_wait3A_795 = tpu.memref_squeeze %dma_wait3A_794 : memref<1x64x128xf32, #tpu.memory_space<vmem>> -> memref<64x128xf32, #tpu.memory_space<vmem>>
          %dma_wait3A_796 = arith.constant 0 : i32
          %dma_wait3A_797 = arith.constant 0 : i32
          %dma_wait3A_798 = tpu.memref_slice %arg2[%dma_wait3A_796, %dma_wait3A_797] : memref<64x1000000xf32, #tpu.memory_space<hbm>> -> memref<64x128xf32, #tpu.memory_space<hbm>>
          %dma_wait3A_799 = arith.constant 0 : i32
          %dma_wait3A_800 = arith.constant 0 : i32
          %dma_wait3A_801 = tpu.memref_slice %arg8[%dma_wait3A_791, %dma_wait3A_799, %dma_wait3A_800] : memref<12x64x128xf32, #tpu.memory_space<vmem>> -> memref<1x64x128xf32, #tpu.memory_space<vmem>>
          %dma_wait3A_802 = tpu.memref_squeeze %dma_wait3A_801 : memref<1x64x128xf32, #tpu.memory_space<vmem>> -> memref<64x128xf32, #tpu.memory_space<vmem>>
          %dma_wait3A_803 = arith.constant 0 : i32
          %dma_wait3A_804 = arith.constant 0 : i32
          %dma_wait3A_805 = tpu.memref_slice %arg2[%dma_wait3A_803, %dma_wait3A_804] : memref<64x1000000xf32, #tpu.memory_space<hbm>> -> memref<64x128xf32, #tpu.memory_space<hbm>>
          tpu.wait_dma2 semaphore(%arg10 : memref<!tpu.dma_semaphore, #tpu.memory_space<semaphore_mem>>) src(%dma_wait3A_805 : memref<64x128xf32, #tpu.memory_space<hbm>>) dst(%dma_wait3A_802 : memref<64x128xf32, #tpu.memory_space<vmem>>)
        } else {
        }
      } else {
      }
      %jit3A_419 = arith.constant 3 : i32
      %eq3A_420 = arith.constant 0 : i32
      %eq3A_421 = arith.cmpi eq, %jit3A_419, %eq3A_420 : i32
      %jit3A_422 = arith.constant 1 : i32
      %select_n3A_423 = arith.select %eq3A_421, %jit3A_422, %jit3A_419 : i32
      %rem3A_424 = arith.remsi %scan3A_106, %select_n3A_423 : i32
      %ne3A_425 = arith.constant 0 : i32
      %ne3A_426 = arith.cmpi ne, %rem3A_424, %ne3A_425 : i32
      %lt3A_427 = arith.constant 0 : i32
      %lt3A_428 = arith.cmpi slt, %rem3A_424, %lt3A_427 : i32
      %lt3A_429 = arith.constant 0 : i32
      %lt3A_430 = arith.cmpi slt, %select_n3A_423, %lt3A_429 : i32
      %ne3A_431 = arith.xori %lt3A_428, %lt3A_430 : i1
      %and3A_432 = arith.andi %ne3A_431, %ne3A_426 : i1
      %add3A_433 = arith.addi %rem3A_424, %select_n3A_423 : i32
      %select_n3A_434 = arith.select %and3A_432, %add3A_433, %rem3A_424 : i32
      %eq3A_435 = arith.constant 1 : i32
      %eq3A_436 = arith.cmpi eq, %select_n3A_434, %eq3A_435 : i32
      %convert_element_type3A_437 = arith.extui %eq3A_436 : i1 to i32
      %cond3A_438 = arith.constant 0 : i32
      %cond3A_439 = arith.cmpi ne, %convert_element_type3A_437, %cond3A_438 : i32
      scf.if %cond3A_439 {
        %gt3A_771 = arith.constant 0 : i32
        %gt3A_772 = arith.cmpi sgt, %add3A_166, %gt3A_771 : i32
        %convert_element_type3A_773 = arith.extui %gt3A_772 : i1 to i32
        %cond3A_774 = arith.constant 0 : i32
        %cond3A_775 = arith.cmpi ne, %convert_element_type3A_773, %cond3A_774 : i32
        scf.if %cond3A_775 {
          %dma_wait3A_791 = arith.constant 0 : i32
          %dma_wait3A_792 = arith.constant 0 : i32
          %dma_wait3A_793 = arith.constant 0 : i32
          %dma_wait3A_794 = tpu.memref_slice %arg8[%dma_wait3A_791, %dma_wait3A_792, %dma_wait3A_793] : memref<12x64x128xf32, #tpu.memory_space<vmem>> -> memref<1x64x128xf32, #tpu.memory_space<vmem>>
          %dma_wait3A_795 = tpu.memref_squeeze %dma_wait3A_794 : memref<1x64x128xf32, #tpu.memory_space<vmem>> -> memref<64x128xf32, #tpu.memory_space<vmem>>
          %dma_wait3A_796 = arith.constant 0 : i32
          %dma_wait3A_797 = arith.constant 0 : i32
          %dma_wait3A_798 = tpu.memref_slice %arg2[%dma_wait3A_796, %dma_wait3A_797] : memref<64x1000000xf32, #tpu.memory_space<hbm>> -> memref<64x128xf32, #tpu.memory_space<hbm>>
          %dma_wait3A_799 = arith.constant 0 : i32
          %dma_wait3A_800 = arith.constant 0 : i32
          %dma_wait3A_801 = tpu.memref_slice %arg8[%dma_wait3A_791, %dma_wait3A_799, %dma_wait3A_800] : memref<12x64x128xf32, #tpu.memory_space<vmem>> -> memref<1x64x128xf32, #tpu.memory_space<vmem>>
          %dma_wait3A_802 = tpu.memref_squeeze %dma_wait3A_801 : memref<1x64x128xf32, #tpu.memory_space<vmem>> -> memref<64x128xf32, #tpu.memory_space<vmem>>
          %dma_wait3A_803 = arith.constant 0 : i32
          %dma_wait3A_804 = arith.constant 0 : i32
          %dma_wait3A_805 = tpu.memref_slice %arg2[%dma_wait3A_803, %dma_wait3A_804] : memref<64x1000000xf32, #tpu.memory_space<hbm>> -> memref<64x128xf32, #tpu.memory_space<hbm>>
          tpu.wait_dma2 semaphore(%arg11 : memref<!tpu.dma_semaphore, #tpu.memory_space<semaphore_mem>>) src(%dma_wait3A_805 : memref<64x128xf32, #tpu.memory_space<hbm>>) dst(%dma_wait3A_802 : memref<64x128xf32, #tpu.memory_space<vmem>>)
        } else {
        }
        %gt3A_776 = arith.constant 1 : i32
        %gt3A_777 = arith.cmpi sgt, %add3A_166, %gt3A_776 : i32
        %convert_element_type3A_778 = arith.extui %gt3A_777 : i1 to i32
        %cond3A_779 = arith.constant 0 : i32
        %cond3A_780 = arith.cmpi ne, %convert_element_type3A_778, %cond3A_779 : i32
        scf.if %cond3A_780 {
          %dma_wait3A_791 = arith.constant 1 : i32
          %dma_wait3A_792 = arith.constant 0 : i32
          %dma_wait3A_793 = arith.constant 0 : i32
          %dma_wait3A_794 = tpu.memref_slice %arg8[%dma_wait3A_791, %dma_wait3A_792, %dma_wait3A_793] : memref<12x64x128xf32, #tpu.memory_space<vmem>> -> memref<1x64x128xf32, #tpu.memory_space<vmem>>
          %dma_wait3A_795 = tpu.memref_squeeze %dma_wait3A_794 : memref<1x64x128xf32, #tpu.memory_space<vmem>> -> memref<64x128xf32, #tpu.memory_space<vmem>>
          %dma_wait3A_796 = arith.constant 0 : i32
          %dma_wait3A_797 = arith.constant 0 : i32
          %dma_wait3A_798 = tpu.memref_slice %arg2[%dma_wait3A_796, %dma_wait3A_797] : memref<64x1000000xf32, #tpu.memory_space<hbm>> -> memref<64x128xf32, #tpu.memory_space<hbm>>
          %dma_wait3A_799 = arith.constant 0 : i32
          %dma_wait3A_800 = arith.constant 0 : i32
          %dma_wait3A_801 = tpu.memref_slice %arg8[%dma_wait3A_791, %dma_wait3A_799, %dma_wait3A_800] : memref<12x64x128xf32, #tpu.memory_space<vmem>> -> memref<1x64x128xf32, #tpu.memory_space<vmem>>
          %dma_wait3A_802 = tpu.memref_squeeze %dma_wait3A_801 : memref<1x64x128xf32, #tpu.memory_space<vmem>> -> memref<64x128xf32, #tpu.memory_space<vmem>>
          %dma_wait3A_803 = arith.constant 0 : i32
          %dma_wait3A_804 = arith.constant 0 : i32
          %dma_wait3A_805 = tpu.memref_slice %arg2[%dma_wait3A_803, %dma_wait3A_804] : memref<64x1000000xf32, #tpu.memory_space<hbm>> -> memref<64x128xf32, #tpu.memory_space<hbm>>
          tpu.wait_dma2 semaphore(%arg11 : memref<!tpu.dma_semaphore, #tpu.memory_space<semaphore_mem>>) src(%dma_wait3A_805 : memref<64x128xf32, #tpu.memory_space<hbm>>) dst(%dma_wait3A_802 : memref<64x128xf32, #tpu.memory_space<vmem>>)
        } else {
        }
        %gt3A_781 = arith.constant 2 : i32
        %gt3A_782 = arith.cmpi sgt, %add3A_166, %gt3A_781 : i32
        %convert_element_type3A_783 = arith.extui %gt3A_782 : i1 to i32
        %cond3A_784 = arith.constant 0 : i32
        %cond3A_785 = arith.cmpi ne, %convert_element_type3A_783, %cond3A_784 : i32
        scf.if %cond3A_785 {
          %dma_wait3A_791 = arith.constant 2 : i32
          %dma_wait3A_792 = arith.constant 0 : i32
          %dma_wait3A_793 = arith.constant 0 : i32
          %dma_wait3A_794 = tpu.memref_slice %arg8[%dma_wait3A_791, %dma_wait3A_792, %dma_wait3A_793] : memref<12x64x128xf32, #tpu.memory_space<vmem>> -> memref<1x64x128xf32, #tpu.memory_space<vmem>>
          %dma_wait3A_795 = tpu.memref_squeeze %dma_wait3A_794 : memref<1x64x128xf32, #tpu.memory_space<vmem>> -> memref<64x128xf32, #tpu.memory_space<vmem>>
          %dma_wait3A_796 = arith.constant 0 : i32
          %dma_wait3A_797 = arith.constant 0 : i32
          %dma_wait3A_798 = tpu.memref_slice %arg2[%dma_wait3A_796, %dma_wait3A_797] : memref<64x1000000xf32, #tpu.memory_space<hbm>> -> memref<64x128xf32, #tpu.memory_space<hbm>>
          %dma_wait3A_799 = arith.constant 0 : i32
          %dma_wait3A_800 = arith.constant 0 : i32
          %dma_wait3A_801 = tpu.memref_slice %arg8[%dma_wait3A_791, %dma_wait3A_799, %dma_wait3A_800] : memref<12x64x128xf32, #tpu.memory_space<vmem>> -> memref<1x64x128xf32, #tpu.memory_space<vmem>>
          %dma_wait3A_802 = tpu.memref_squeeze %dma_wait3A_801 : memref<1x64x128xf32, #tpu.memory_space<vmem>> -> memref<64x128xf32, #tpu.memory_space<vmem>>
          %dma_wait3A_803 = arith.constant 0 : i32
          %dma_wait3A_804 = arith.constant 0 : i32
          %dma_wait3A_805 = tpu.memref_slice %arg2[%dma_wait3A_803, %dma_wait3A_804] : memref<64x1000000xf32, #tpu.memory_space<hbm>> -> memref<64x128xf32, #tpu.memory_space<hbm>>
          tpu.wait_dma2 semaphore(%arg11 : memref<!tpu.dma_semaphore, #tpu.memory_space<semaphore_mem>>) src(%dma_wait3A_805 : memref<64x128xf32, #tpu.memory_space<hbm>>) dst(%dma_wait3A_802 : memref<64x128xf32, #tpu.memory_space<vmem>>)
        } else {
        }
        %gt3A_786 = arith.constant 3 : i32
        %gt3A_787 = arith.cmpi sgt, %add3A_166, %gt3A_786 : i32
        %convert_element_type3A_788 = arith.extui %gt3A_787 : i1 to i32
        %cond3A_789 = arith.constant 0 : i32
        %cond3A_790 = arith.cmpi ne, %convert_element_type3A_788, %cond3A_789 : i32
        scf.if %cond3A_790 {
          %dma_wait3A_791 = arith.constant 3 : i32
          %dma_wait3A_792 = arith.constant 0 : i32
          %dma_wait3A_793 = arith.constant 0 : i32
          %dma_wait3A_794 = tpu.memref_slice %arg8[%dma_wait3A_791, %dma_wait3A_792, %dma_wait3A_793] : memref<12x64x128xf32, #tpu.memory_space<vmem>> -> memref<1x64x128xf32, #tpu.memory_space<vmem>>
          %dma_wait3A_795 = tpu.memref_squeeze %dma_wait3A_794 : memref<1x64x128xf32, #tpu.memory_space<vmem>> -> memref<64x128xf32, #tpu.memory_space<vmem>>
          %dma_wait3A_796 = arith.constant 0 : i32
          %dma_wait3A_797 = arith.constant 0 : i32
          %dma_wait3A_798 = tpu.memref_slice %arg2[%dma_wait3A_796, %dma_wait3A_797] : memref<64x1000000xf32, #tpu.memory_space<hbm>> -> memref<64x128xf32, #tpu.memory_space<hbm>>
          %dma_wait3A_799 = arith.constant 0 : i32
          %dma_wait3A_800 = arith.constant 0 : i32
          %dma_wait3A_801 = tpu.memref_slice %arg8[%dma_wait3A_791, %dma_wait3A_799, %dma_wait3A_800] : memref<12x64x128xf32, #tpu.memory_space<vmem>> -> memref<1x64x128xf32, #tpu.memory_space<vmem>>
          %dma_wait3A_802 = tpu.memref_squeeze %dma_wait3A_801 : memref<1x64x128xf32, #tpu.memory_space<vmem>> -> memref<64x128xf32, #tpu.memory_space<vmem>>
          %dma_wait3A_803 = arith.constant 0 : i32
          %dma_wait3A_804 = arith.constant 0 : i32
          %dma_wait3A_805 = tpu.memref_slice %arg2[%dma_wait3A_803, %dma_wait3A_804] : memref<64x1000000xf32, #tpu.memory_space<hbm>> -> memref<64x128xf32, #tpu.memory_space<hbm>>
          tpu.wait_dma2 semaphore(%arg11 : memref<!tpu.dma_semaphore, #tpu.memory_space<semaphore_mem>>) src(%dma_wait3A_805 : memref<64x128xf32, #tpu.memory_space<hbm>>) dst(%dma_wait3A_802 : memref<64x128xf32, #tpu.memory_space<vmem>>)
        } else {
        }
      } else {
      }
      %jit3A_440 = arith.constant 3 : i32
      %eq3A_441 = arith.constant 0 : i32
      %eq3A_442 = arith.cmpi eq, %jit3A_440, %eq3A_441 : i32
      %jit3A_443 = arith.constant 1 : i32
      %select_n3A_444 = arith.select %eq3A_442, %jit3A_443, %jit3A_440 : i32
      %rem3A_445 = arith.remsi %scan3A_106, %select_n3A_444 : i32
      %ne3A_446 = arith.constant 0 : i32
      %ne3A_447 = arith.cmpi ne, %rem3A_445, %ne3A_446 : i32
      %lt3A_448 = arith.constant 0 : i32
      %lt3A_449 = arith.cmpi slt, %rem3A_445, %lt3A_448 : i32
      %lt3A_450 = arith.constant 0 : i32
      %lt3A_451 = arith.cmpi slt, %select_n3A_444, %lt3A_450 : i32
      %ne3A_452 = arith.xori %lt3A_449, %lt3A_451 : i1
      %and3A_453 = arith.andi %ne3A_452, %ne3A_447 : i1
      %add3A_454 = arith.addi %rem3A_445, %select_n3A_444 : i32
      %select_n3A_455 = arith.select %and3A_453, %add3A_454, %rem3A_445 : i32
      %eq3A_456 = arith.constant 2 : i32
      %eq3A_457 = arith.cmpi eq, %select_n3A_455, %eq3A_456 : i32
      %convert_element_type3A_458 = arith.extui %eq3A_457 : i1 to i32
      %cond3A_459 = arith.constant 0 : i32
      %cond3A_460 = arith.cmpi ne, %convert_element_type3A_458, %cond3A_459 : i32
      scf.if %cond3A_460 {
        %gt3A_771 = arith.constant 0 : i32
        %gt3A_772 = arith.cmpi sgt, %add3A_166, %gt3A_771 : i32
        %convert_element_type3A_773 = arith.extui %gt3A_772 : i1 to i32
        %cond3A_774 = arith.constant 0 : i32
        %cond3A_775 = arith.cmpi ne, %convert_element_type3A_773, %cond3A_774 : i32
        scf.if %cond3A_775 {
          %dma_wait3A_791 = arith.constant 0 : i32
          %dma_wait3A_792 = arith.constant 0 : i32
          %dma_wait3A_793 = arith.constant 0 : i32
          %dma_wait3A_794 = tpu.memref_slice %arg8[%dma_wait3A_791, %dma_wait3A_792, %dma_wait3A_793] : memref<12x64x128xf32, #tpu.memory_space<vmem>> -> memref<1x64x128xf32, #tpu.memory_space<vmem>>
          %dma_wait3A_795 = tpu.memref_squeeze %dma_wait3A_794 : memref<1x64x128xf32, #tpu.memory_space<vmem>> -> memref<64x128xf32, #tpu.memory_space<vmem>>
          %dma_wait3A_796 = arith.constant 0 : i32
          %dma_wait3A_797 = arith.constant 0 : i32
          %dma_wait3A_798 = tpu.memref_slice %arg2[%dma_wait3A_796, %dma_wait3A_797] : memref<64x1000000xf32, #tpu.memory_space<hbm>> -> memref<64x128xf32, #tpu.memory_space<hbm>>
          %dma_wait3A_799 = arith.constant 0 : i32
          %dma_wait3A_800 = arith.constant 0 : i32
          %dma_wait3A_801 = tpu.memref_slice %arg8[%dma_wait3A_791, %dma_wait3A_799, %dma_wait3A_800] : memref<12x64x128xf32, #tpu.memory_space<vmem>> -> memref<1x64x128xf32, #tpu.memory_space<vmem>>
          %dma_wait3A_802 = tpu.memref_squeeze %dma_wait3A_801 : memref<1x64x128xf32, #tpu.memory_space<vmem>> -> memref<64x128xf32, #tpu.memory_space<vmem>>
          %dma_wait3A_803 = arith.constant 0 : i32
          %dma_wait3A_804 = arith.constant 0 : i32
          %dma_wait3A_805 = tpu.memref_slice %arg2[%dma_wait3A_803, %dma_wait3A_804] : memref<64x1000000xf32, #tpu.memory_space<hbm>> -> memref<64x128xf32, #tpu.memory_space<hbm>>
          tpu.wait_dma2 semaphore(%arg12 : memref<!tpu.dma_semaphore, #tpu.memory_space<semaphore_mem>>) src(%dma_wait3A_805 : memref<64x128xf32, #tpu.memory_space<hbm>>) dst(%dma_wait3A_802 : memref<64x128xf32, #tpu.memory_space<vmem>>)
        } else {
        }
        %gt3A_776 = arith.constant 1 : i32
        %gt3A_777 = arith.cmpi sgt, %add3A_166, %gt3A_776 : i32
        %convert_element_type3A_778 = arith.extui %gt3A_777 : i1 to i32
        %cond3A_779 = arith.constant 0 : i32
        %cond3A_780 = arith.cmpi ne, %convert_element_type3A_778, %cond3A_779 : i32
        scf.if %cond3A_780 {
          %dma_wait3A_791 = arith.constant 1 : i32
          %dma_wait3A_792 = arith.constant 0 : i32
          %dma_wait3A_793 = arith.constant 0 : i32
          %dma_wait3A_794 = tpu.memref_slice %arg8[%dma_wait3A_791, %dma_wait3A_792, %dma_wait3A_793] : memref<12x64x128xf32, #tpu.memory_space<vmem>> -> memref<1x64x128xf32, #tpu.memory_space<vmem>>
          %dma_wait3A_795 = tpu.memref_squeeze %dma_wait3A_794 : memref<1x64x128xf32, #tpu.memory_space<vmem>> -> memref<64x128xf32, #tpu.memory_space<vmem>>
          %dma_wait3A_796 = arith.constant 0 : i32
          %dma_wait3A_797 = arith.constant 0 : i32
          %dma_wait3A_798 = tpu.memref_slice %arg2[%dma_wait3A_796, %dma_wait3A_797] : memref<64x1000000xf32, #tpu.memory_space<hbm>> -> memref<64x128xf32, #tpu.memory_space<hbm>>
          %dma_wait3A_799 = arith.constant 0 : i32
          %dma_wait3A_800 = arith.constant 0 : i32
          %dma_wait3A_801 = tpu.memref_slice %arg8[%dma_wait3A_791, %dma_wait3A_799, %dma_wait3A_800] : memref<12x64x128xf32, #tpu.memory_space<vmem>> -> memref<1x64x128xf32, #tpu.memory_space<vmem>>
          %dma_wait3A_802 = tpu.memref_squeeze %dma_wait3A_801 : memref<1x64x128xf32, #tpu.memory_space<vmem>> -> memref<64x128xf32, #tpu.memory_space<vmem>>
          %dma_wait3A_803 = arith.constant 0 : i32
          %dma_wait3A_804 = arith.constant 0 : i32
          %dma_wait3A_805 = tpu.memref_slice %arg2[%dma_wait3A_803, %dma_wait3A_804] : memref<64x1000000xf32, #tpu.memory_space<hbm>> -> memref<64x128xf32, #tpu.memory_space<hbm>>
          tpu.wait_dma2 semaphore(%arg12 : memref<!tpu.dma_semaphore, #tpu.memory_space<semaphore_mem>>) src(%dma_wait3A_805 : memref<64x128xf32, #tpu.memory_space<hbm>>) dst(%dma_wait3A_802 : memref<64x128xf32, #tpu.memory_space<vmem>>)
        } else {
        }
        %gt3A_781 = arith.constant 2 : i32
        %gt3A_782 = arith.cmpi sgt, %add3A_166, %gt3A_781 : i32
        %convert_element_type3A_783 = arith.extui %gt3A_782 : i1 to i32
        %cond3A_784 = arith.constant 0 : i32
        %cond3A_785 = arith.cmpi ne, %convert_element_type3A_783, %cond3A_784 : i32
        scf.if %cond3A_785 {
          %dma_wait3A_791 = arith.constant 2 : i32
          %dma_wait3A_792 = arith.constant 0 : i32
          %dma_wait3A_793 = arith.constant 0 : i32
          %dma_wait3A_794 = tpu.memref_slice %arg8[%dma_wait3A_791, %dma_wait3A_792, %dma_wait3A_793] : memref<12x64x128xf32, #tpu.memory_space<vmem>> -> memref<1x64x128xf32, #tpu.memory_space<vmem>>
          %dma_wait3A_795 = tpu.memref_squeeze %dma_wait3A_794 : memref<1x64x128xf32, #tpu.memory_space<vmem>> -> memref<64x128xf32, #tpu.memory_space<vmem>>
          %dma_wait3A_796 = arith.constant 0 : i32
          %dma_wait3A_797 = arith.constant 0 : i32
          %dma_wait3A_798 = tpu.memref_slice %arg2[%dma_wait3A_796, %dma_wait3A_797] : memref<64x1000000xf32, #tpu.memory_space<hbm>> -> memref<64x128xf32, #tpu.memory_space<hbm>>
          %dma_wait3A_799 = arith.constant 0 : i32
          %dma_wait3A_800 = arith.constant 0 : i32
          %dma_wait3A_801 = tpu.memref_slice %arg8[%dma_wait3A_791, %dma_wait3A_799, %dma_wait3A_800] : memref<12x64x128xf32, #tpu.memory_space<vmem>> -> memref<1x64x128xf32, #tpu.memory_space<vmem>>
          %dma_wait3A_802 = tpu.memref_squeeze %dma_wait3A_801 : memref<1x64x128xf32, #tpu.memory_space<vmem>> -> memref<64x128xf32, #tpu.memory_space<vmem>>
          %dma_wait3A_803 = arith.constant 0 : i32
          %dma_wait3A_804 = arith.constant 0 : i32
          %dma_wait3A_805 = tpu.memref_slice %arg2[%dma_wait3A_803, %dma_wait3A_804] : memref<64x1000000xf32, #tpu.memory_space<hbm>> -> memref<64x128xf32, #tpu.memory_space<hbm>>
          tpu.wait_dma2 semaphore(%arg12 : memref<!tpu.dma_semaphore, #tpu.memory_space<semaphore_mem>>) src(%dma_wait3A_805 : memref<64x128xf32, #tpu.memory_space<hbm>>) dst(%dma_wait3A_802 : memref<64x128xf32, #tpu.memory_space<vmem>>)
        } else {
        }
        %gt3A_786 = arith.constant 3 : i32
        %gt3A_787 = arith.cmpi sgt, %add3A_166, %gt3A_786 : i32
        %convert_element_type3A_788 = arith.extui %gt3A_787 : i1 to i32
        %cond3A_789 = arith.constant 0 : i32
        %cond3A_790 = arith.cmpi ne, %convert_element_type3A_788, %cond3A_789 : i32
        scf.if %cond3A_790 {
          %dma_wait3A_791 = arith.constant 3 : i32
          %dma_wait3A_792 = arith.constant 0 : i32
          %dma_wait3A_793 = arith.constant 0 : i32
          %dma_wait3A_794 = tpu.memref_slice %arg8[%dma_wait3A_791, %dma_wait3A_792, %dma_wait3A_793] : memref<12x64x128xf32, #tpu.memory_space<vmem>> -> memref<1x64x128xf32, #tpu.memory_space<vmem>>
          %dma_wait3A_795 = tpu.memref_squeeze %dma_wait3A_794 : memref<1x64x128xf32, #tpu.memory_space<vmem>> -> memref<64x128xf32, #tpu.memory_space<vmem>>
          %dma_wait3A_796 = arith.constant 0 : i32
          %dma_wait3A_797 = arith.constant 0 : i32
          %dma_wait3A_798 = tpu.memref_slice %arg2[%dma_wait3A_796, %dma_wait3A_797] : memref<64x1000000xf32, #tpu.memory_space<hbm>> -> memref<64x128xf32, #tpu.memory_space<hbm>>
          %dma_wait3A_799 = arith.constant 0 : i32
          %dma_wait3A_800 = arith.constant 0 : i32
          %dma_wait3A_801 = tpu.memref_slice %arg8[%dma_wait3A_791, %dma_wait3A_799, %dma_wait3A_800] : memref<12x64x128xf32, #tpu.memory_space<vmem>> -> memref<1x64x128xf32, #tpu.memory_space<vmem>>
          %dma_wait3A_802 = tpu.memref_squeeze %dma_wait3A_801 : memref<1x64x128xf32, #tpu.memory_space<vmem>> -> memref<64x128xf32, #tpu.memory_space<vmem>>
          %dma_wait3A_803 = arith.constant 0 : i32
          %dma_wait3A_804 = arith.constant 0 : i32
          %dma_wait3A_805 = tpu.memref_slice %arg2[%dma_wait3A_803, %dma_wait3A_804] : memref<64x1000000xf32, #tpu.memory_space<hbm>> -> memref<64x128xf32, #tpu.memory_space<hbm>>
          tpu.wait_dma2 semaphore(%arg12 : memref<!tpu.dma_semaphore, #tpu.memory_space<semaphore_mem>>) src(%dma_wait3A_805 : memref<64x128xf32, #tpu.memory_space<hbm>>) dst(%dma_wait3A_802 : memref<64x128xf32, #tpu.memory_space<vmem>>)
        } else {
        }
      } else {
      }
      %jit3A_461 = arith.constant 32 : i32
      %eq3A_462 = arith.constant 0 : i32
      %eq3A_463 = arith.cmpi eq, %jit3A_461, %eq3A_462 : i32
      %jit3A_464 = arith.constant 1 : i32
      %select_n3A_465 = arith.select %eq3A_463, %jit3A_464, %jit3A_461 : i32
      %rem3A_466 = arith.remsi %scan3A_106, %select_n3A_465 : i32
      %ne3A_467 = arith.constant 0 : i32
      %ne3A_468 = arith.cmpi ne, %rem3A_466, %ne3A_467 : i32
      %lt3A_469 = arith.constant 0 : i32
      %lt3A_470 = arith.cmpi slt, %rem3A_466, %lt3A_469 : i32
      %lt3A_471 = arith.constant 0 : i32
      %lt3A_472 = arith.cmpi slt, %select_n3A_465, %lt3A_471 : i32
      %ne3A_473 = arith.xori %lt3A_470, %lt3A_472 : i1
      %and3A_474 = arith.andi %ne3A_473, %ne3A_468 : i1
      %add3A_475 = arith.addi %rem3A_466, %select_n3A_465 : i32
      %select_n3A_476 = arith.select %and3A_474, %add3A_475, %rem3A_466 : i32
      %eq3A_477 = arith.constant 0 : i32
      %eq3A_478 = arith.cmpi eq, %select_n3A_476, %eq3A_477 : i32
      %gt3A = arith.constant 0 : i32
      %gt3A_479 = arith.cmpi sgt, %scan3A_106, %gt3A : i32
      %and3A_480 = arith.andi %eq3A_478, %gt3A_479 : i1
      %convert_element_type3A_481 = arith.extui %and3A_480 : i1 to i32
      %cond3A_482 = arith.constant 0 : i32
      %cond3A_483 = arith.cmpi ne, %convert_element_type3A_481, %cond3A_482 : i32
      scf.if %cond3A_483 {
        %dma_wait3A_771 = arith.constant 0 : i32
        %dma_wait3A_772 = arith.constant 0 : i32
        %dma_wait3A_773 = tpu.memref_slice %arg5[%dma_wait3A_771, %dma_wait3A_772] : memref<16384x128xf32, #tpu.memory_space<hbm>> -> memref<128x128xf32, #tpu.memory_space<hbm>>
        %dma_wait3A_774 = arith.constant 0 : i32
        %dma_wait3A_775 = arith.constant 0 : i32
        %dma_wait3A_776 = tpu.memref_slice %arg5[%dma_wait3A_774, %dma_wait3A_775] : memref<16384x128xf32, #tpu.memory_space<hbm>> -> memref<128x128xf32, #tpu.memory_space<hbm>>
        tpu.wait_dma2 semaphore(%arg13 : memref<!tpu.dma_semaphore, #tpu.memory_space<semaphore_mem>>) src(%dma_wait3A_776 : memref<128x128xf32, #tpu.memory_space<hbm>>) dst(%arg9 : memref<128x128xf32, #tpu.memory_space<vmem>>)
      } else {
      }
      %and3A_484 = arith.constant 127 : i32
      %and3A_485 = arith.andi %scan3A_110, %and3A_484 : i32
      %broadcast_in_dim3A_486 = vector.broadcast %and3A_485 : i32 to vector<16xi32>
      %jit3A_487 = arith.constant 32 : i32
      %eq3A_488 = arith.constant 0 : i32
      %eq3A_489 = arith.cmpi eq, %jit3A_487, %eq3A_488 : i32
      %jit3A_490 = arith.constant 1 : i32
      %select_n3A_491 = arith.select %eq3A_489, %jit3A_490, %jit3A_487 : i32
      %rem3A_492 = arith.remsi %scan3A_106, %select_n3A_491 : i32
      %ne3A_493 = arith.constant 0 : i32
      %ne3A_494 = arith.cmpi ne, %rem3A_492, %ne3A_493 : i32
      %lt3A_495 = arith.constant 0 : i32
      %lt3A_496 = arith.cmpi slt, %rem3A_492, %lt3A_495 : i32
      %lt3A_497 = arith.constant 0 : i32
      %lt3A_498 = arith.cmpi slt, %select_n3A_491, %lt3A_497 : i32
      %ne3A_499 = arith.xori %lt3A_496, %lt3A_498 : i1
      %and3A_500 = arith.andi %ne3A_499, %ne3A_494 : i1
      %add3A_501 = arith.addi %rem3A_492, %select_n3A_491 : i32
      %select_n3A_502 = arith.select %and3A_500, %add3A_501, %rem3A_492 : i32
      %mul3A_503 = arith.constant 4 : i32
      %mul3A_504 = arith.muli %select_n3A_502, %mul3A_503 : i32
      %add3A_505 = arith.constant 0 : i32
      %add3A_506 = arith.addi %mul3A_504, %add3A_505 : i32
      %add3A_507 = arith.constant 0 : i32
      %add3A_508 = vector.broadcast %add3A_507 : i32 to vector<16xi32>
      %add3A_509 = arith.addi %iota3A, %add3A_508 : vector<16xi32>
      %gather3A = arith.constant 0 : i32
      %gather3A_510 = arith.constant 0 : i32
      %gather3A_511 = tpu.memref_slice %arg8[%select_n3A_145, %gather3A, %gather3A_510] : memref<12x64x128xf32, #tpu.memory_space<vmem>> -> memref<1x64x128xf32, #tpu.memory_space<vmem>>
      %gather3A_512 = tpu.memref_squeeze %gather3A_511 : memref<1x64x128xf32, #tpu.memory_space<vmem>> -> memref<64x128xf32, #tpu.memory_space<vmem>>
      %gather3A_513 = tpu.vector_load_idx %gather3A_512[%add3A_509, %broadcast_in_dim3A_486] : memref<64x128xf32, #tpu.memory_space<vmem>>[vector<16xi32>, vector<16xi32>], vector<16xf32>,
      %swap3A = arith.index_cast %add3A_506 : i32 to index
      %swap3A_514 = arith.constant 0 : index
      %swap3A_515 = tpu.vector_load %arg9[%swap3A, %swap3A_514] {strides = array<i32>} : memref<128x128xf32, #tpu.memory_space<vmem>>, vector<16xf32>,
      tpu.vector_store %arg9[%swap3A, %swap3A_514], %gather3A_513 {strides = array<i32>} : memref<128x128xf32, #tpu.memory_space<vmem>>, vector<16xf32>,
      %add3A_516 = arith.constant 16 : i32
      %add3A_517 = vector.broadcast %add3A_516 : i32 to vector<16xi32>
      %add3A_518 = arith.addi %iota3A, %add3A_517 : vector<16xi32>
      %gather3A_519 = arith.constant 0 : i32
      %gather3A_520 = arith.constant 0 : i32
      %gather3A_521 = tpu.memref_slice %arg8[%select_n3A_145, %gather3A_519, %gather3A_520] : memref<12x64x128xf32, #tpu.memory_space<vmem>> -> memref<1x64x128xf32, #tpu.memory_space<vmem>>
      %gather3A_522 = tpu.memref_squeeze %gather3A_521 : memref<1x64x128xf32, #tpu.memory_space<vmem>> -> memref<64x128xf32, #tpu.memory_space<vmem>>
      %gather3A_523 = tpu.vector_load_idx %gather3A_522[%add3A_518, %broadcast_in_dim3A_486] : memref<64x128xf32, #tpu.memory_space<vmem>>[vector<16xi32>, vector<16xi32>], vector<16xf32>,
      %swap3A_524 = arith.index_cast %add3A_506 : i32 to index
      %swap3A_525 = arith.constant 16 : index
      %swap3A_526 = tpu.vector_load %arg9[%swap3A_524, %swap3A_525] {strides = array<i32>} : memref<128x128xf32, #tpu.memory_space<vmem>>, vector<16xf32>,
      tpu.vector_store %arg9[%swap3A_524, %swap3A_525], %gather3A_523 {strides = array<i32>} : memref<128x128xf32, #tpu.memory_space<vmem>>, vector<16xf32>,
      %add3A_527 = arith.constant 32 : i32
      %add3A_528 = vector.broadcast %add3A_527 : i32 to vector<16xi32>
      %add3A_529 = arith.addi %iota3A, %add3A_528 : vector<16xi32>
      %gather3A_530 = arith.constant 0 : i32
      %gather3A_531 = arith.constant 0 : i32
      %gather3A_532 = tpu.memref_slice %arg8[%select_n3A_145, %gather3A_530, %gather3A_531] : memref<12x64x128xf32, #tpu.memory_space<vmem>> -> memref<1x64x128xf32, #tpu.memory_space<vmem>>
      %gather3A_533 = tpu.memref_squeeze %gather3A_532 : memref<1x64x128xf32, #tpu.memory_space<vmem>> -> memref<64x128xf32, #tpu.memory_space<vmem>>
      %gather3A_534 = tpu.vector_load_idx %gather3A_533[%add3A_529, %broadcast_in_dim3A_486] : memref<64x128xf32, #tpu.memory_space<vmem>>[vector<16xi32>, vector<16xi32>], vector<16xf32>,
      %swap3A_535 = arith.index_cast %add3A_506 : i32 to index
      %swap3A_536 = arith.constant 32 : index
      %swap3A_537 = tpu.vector_load %arg9[%swap3A_535, %swap3A_536] {strides = array<i32>} : memref<128x128xf32, #tpu.memory_space<vmem>>, vector<16xf32>,
      tpu.vector_store %arg9[%swap3A_535, %swap3A_536], %gather3A_534 {strides = array<i32>} : memref<128x128xf32, #tpu.memory_space<vmem>>, vector<16xf32>,
      %add3A_538 = arith.constant 48 : i32
      %add3A_539 = vector.broadcast %add3A_538 : i32 to vector<16xi32>
      %add3A_540 = arith.addi %iota3A, %add3A_539 : vector<16xi32>
      %gather3A_541 = arith.constant 0 : i32
      %gather3A_542 = arith.constant 0 : i32
      %gather3A_543 = tpu.memref_slice %arg8[%select_n3A_145, %gather3A_541, %gather3A_542] : memref<12x64x128xf32, #tpu.memory_space<vmem>> -> memref<1x64x128xf32, #tpu.memory_space<vmem>>
      %gather3A_544 = tpu.memref_squeeze %gather3A_543 : memref<1x64x128xf32, #tpu.memory_space<vmem>> -> memref<64x128xf32, #tpu.memory_space<vmem>>
      %gather3A_545 = tpu.vector_load_idx %gather3A_544[%add3A_540, %broadcast_in_dim3A_486] : memref<64x128xf32, #tpu.memory_space<vmem>>[vector<16xi32>, vector<16xi32>], vector<16xf32>,
      %swap3A_546 = arith.index_cast %add3A_506 : i32 to index
      %swap3A_547 = arith.constant 48 : index
      %swap3A_548 = tpu.vector_load %arg9[%swap3A_546, %swap3A_547] {strides = array<i32>} : memref<128x128xf32, #tpu.memory_space<vmem>>, vector<16xf32>,
      tpu.vector_store %arg9[%swap3A_546, %swap3A_547], %gather3A_545 {strides = array<i32>} : memref<128x128xf32, #tpu.memory_space<vmem>>, vector<16xf32>,
      %and3A_549 = arith.constant 127 : i32
      %and3A_550 = arith.andi %scan3A_111, %and3A_549 : i32
      %broadcast_in_dim3A_551 = vector.broadcast %and3A_550 : i32 to vector<16xi32>
      %jit3A_552 = arith.constant 32 : i32
      %eq3A_553 = arith.constant 0 : i32
      %eq3A_554 = arith.cmpi eq, %jit3A_552, %eq3A_553 : i32
      %jit3A_555 = arith.constant 1 : i32
      %select_n3A_556 = arith.select %eq3A_554, %jit3A_555, %jit3A_552 : i32
      %rem3A_557 = arith.remsi %scan3A_106, %select_n3A_556 : i32
      %ne3A_558 = arith.constant 0 : i32
      %ne3A_559 = arith.cmpi ne, %rem3A_557, %ne3A_558 : i32
      %lt3A_560 = arith.constant 0 : i32
      %lt3A_561 = arith.cmpi slt, %rem3A_557, %lt3A_560 : i32
      %lt3A_562 = arith.constant 0 : i32
      %lt3A_563 = arith.cmpi slt, %select_n3A_556, %lt3A_562 : i32
      %ne3A_564 = arith.xori %lt3A_561, %lt3A_563 : i1
      %and3A_565 = arith.andi %ne3A_564, %ne3A_559 : i1
      %add3A_566 = arith.addi %rem3A_557, %select_n3A_556 : i32
      %select_n3A_567 = arith.select %and3A_565, %add3A_566, %rem3A_557 : i32
      %mul3A_568 = arith.constant 4 : i32
      %mul3A_569 = arith.muli %select_n3A_567, %mul3A_568 : i32
      %add3A_570 = arith.constant 1 : i32
      %add3A_571 = arith.addi %mul3A_569, %add3A_570 : i32
      %add3A_572 = arith.constant 0 : i32
      %add3A_573 = vector.broadcast %add3A_572 : i32 to vector<16xi32>
      %add3A_574 = arith.addi %iota3A, %add3A_573 : vector<16xi32>
      %gather3A_575 = arith.constant 0 : i32
      %gather3A_576 = arith.constant 0 : i32
      %gather3A_577 = tpu.memref_slice %arg8[%select_n3A_148, %gather3A_575, %gather3A_576] : memref<12x64x128xf32, #tpu.memory_space<vmem>> -> memref<1x64x128xf32, #tpu.memory_space<vmem>>
      %gather3A_578 = tpu.memref_squeeze %gather3A_577 : memref<1x64x128xf32, #tpu.memory_space<vmem>> -> memref<64x128xf32, #tpu.memory_space<vmem>>
      %gather3A_579 = tpu.vector_load_idx %gather3A_578[%add3A_574, %broadcast_in_dim3A_551] : memref<64x128xf32, #tpu.memory_space<vmem>>[vector<16xi32>, vector<16xi32>], vector<16xf32>,
      %swap3A_580 = arith.index_cast %add3A_571 : i32 to index
      %swap3A_581 = arith.constant 0 : index
      %swap3A_582 = tpu.vector_load %arg9[%swap3A_580, %swap3A_581] {strides = array<i32>} : memref<128x128xf32, #tpu.memory_space<vmem>>, vector<16xf32>,
      tpu.vector_store %arg9[%swap3A_580, %swap3A_581], %gather3A_579 {strides = array<i32>} : memref<128x128xf32, #tpu.memory_space<vmem>>, vector<16xf32>,
      %add3A_583 = arith.constant 16 : i32
      %add3A_584 = vector.broadcast %add3A_583 : i32 to vector<16xi32>
      %add3A_585 = arith.addi %iota3A, %add3A_584 : vector<16xi32>
      %gather3A_586 = arith.constant 0 : i32
      %gather3A_587 = arith.constant 0 : i32
      %gather3A_588 = tpu.memref_slice %arg8[%select_n3A_148, %gather3A_586, %gather3A_587] : memref<12x64x128xf32, #tpu.memory_space<vmem>> -> memref<1x64x128xf32, #tpu.memory_space<vmem>>
      %gather3A_589 = tpu.memref_squeeze %gather3A_588 : memref<1x64x128xf32, #tpu.memory_space<vmem>> -> memref<64x128xf32, #tpu.memory_space<vmem>>
      %gather3A_590 = tpu.vector_load_idx %gather3A_589[%add3A_585, %broadcast_in_dim3A_551] : memref<64x128xf32, #tpu.memory_space<vmem>>[vector<16xi32>, vector<16xi32>], vector<16xf32>,
      %swap3A_591 = arith.index_cast %add3A_571 : i32 to index
      %swap3A_592 = arith.constant 16 : index
      %swap3A_593 = tpu.vector_load %arg9[%swap3A_591, %swap3A_592] {strides = array<i32>} : memref<128x128xf32, #tpu.memory_space<vmem>>, vector<16xf32>,
      tpu.vector_store %arg9[%swap3A_591, %swap3A_592], %gather3A_590 {strides = array<i32>} : memref<128x128xf32, #tpu.memory_space<vmem>>, vector<16xf32>,
      %add3A_594 = arith.constant 32 : i32
      %add3A_595 = vector.broadcast %add3A_594 : i32 to vector<16xi32>
      %add3A_596 = arith.addi %iota3A, %add3A_595 : vector<16xi32>
      %gather3A_597 = arith.constant 0 : i32
      %gather3A_598 = arith.constant 0 : i32
      %gather3A_599 = tpu.memref_slice %arg8[%select_n3A_148, %gather3A_597, %gather3A_598] : memref<12x64x128xf32, #tpu.memory_space<vmem>> -> memref<1x64x128xf32, #tpu.memory_space<vmem>>
      %gather3A_600 = tpu.memref_squeeze %gather3A_599 : memref<1x64x128xf32, #tpu.memory_space<vmem>> -> memref<64x128xf32, #tpu.memory_space<vmem>>
      %gather3A_601 = tpu.vector_load_idx %gather3A_600[%add3A_596, %broadcast_in_dim3A_551] : memref<64x128xf32, #tpu.memory_space<vmem>>[vector<16xi32>, vector<16xi32>], vector<16xf32>,
      %swap3A_602 = arith.index_cast %add3A_571 : i32 to index
      %swap3A_603 = arith.constant 32 : index
      %swap3A_604 = tpu.vector_load %arg9[%swap3A_602, %swap3A_603] {strides = array<i32>} : memref<128x128xf32, #tpu.memory_space<vmem>>, vector<16xf32>,
      tpu.vector_store %arg9[%swap3A_602, %swap3A_603], %gather3A_601 {strides = array<i32>} : memref<128x128xf32, #tpu.memory_space<vmem>>, vector<16xf32>,
      %add3A_605 = arith.constant 48 : i32
      %add3A_606 = vector.broadcast %add3A_605 : i32 to vector<16xi32>
      %add3A_607 = arith.addi %iota3A, %add3A_606 : vector<16xi32>
      %gather3A_608 = arith.constant 0 : i32
      %gather3A_609 = arith.constant 0 : i32
      %gather3A_610 = tpu.memref_slice %arg8[%select_n3A_148, %gather3A_608, %gather3A_609] : memref<12x64x128xf32, #tpu.memory_space<vmem>> -> memref<1x64x128xf32, #tpu.memory_space<vmem>>
      %gather3A_611 = tpu.memref_squeeze %gather3A_610 : memref<1x64x128xf32, #tpu.memory_space<vmem>> -> memref<64x128xf32, #tpu.memory_space<vmem>>
      %gather3A_612 = tpu.vector_load_idx %gather3A_611[%add3A_607, %broadcast_in_dim3A_551] : memref<64x128xf32, #tpu.memory_space<vmem>>[vector<16xi32>, vector<16xi32>], vector<16xf32>,
      %swap3A_613 = arith.index_cast %add3A_571 : i32 to index
      %swap3A_614 = arith.constant 48 : index
      %swap3A_615 = tpu.vector_load %arg9[%swap3A_613, %swap3A_614] {strides = array<i32>} : memref<128x128xf32, #tpu.memory_space<vmem>>, vector<16xf32>,
      tpu.vector_store %arg9[%swap3A_613, %swap3A_614], %gather3A_612 {strides = array<i32>} : memref<128x128xf32, #tpu.memory_space<vmem>>, vector<16xf32>,
      %and3A_616 = arith.constant 127 : i32
      %and3A_617 = arith.andi %scan3A_112, %and3A_616 : i32
      %broadcast_in_dim3A_618 = vector.broadcast %and3A_617 : i32 to vector<16xi32>
      %jit3A_619 = arith.constant 32 : i32
      %eq3A_620 = arith.constant 0 : i32
      %eq3A_621 = arith.cmpi eq, %jit3A_619, %eq3A_620 : i32
      %jit3A_622 = arith.constant 1 : i32
      %select_n3A_623 = arith.select %eq3A_621, %jit3A_622, %jit3A_619 : i32
      %rem3A_624 = arith.remsi %scan3A_106, %select_n3A_623 : i32
      %ne3A_625 = arith.constant 0 : i32
      %ne3A_626 = arith.cmpi ne, %rem3A_624, %ne3A_625 : i32
      %lt3A_627 = arith.constant 0 : i32
      %lt3A_628 = arith.cmpi slt, %rem3A_624, %lt3A_627 : i32
      %lt3A_629 = arith.constant 0 : i32
      %lt3A_630 = arith.cmpi slt, %select_n3A_623, %lt3A_629 : i32
      %ne3A_631 = arith.xori %lt3A_628, %lt3A_630 : i1
      %and3A_632 = arith.andi %ne3A_631, %ne3A_626 : i1
      %add3A_633 = arith.addi %rem3A_624, %select_n3A_623 : i32
      %select_n3A_634 = arith.select %and3A_632, %add3A_633, %rem3A_624 : i32
      %mul3A_635 = arith.constant 4 : i32
      %mul3A_636 = arith.muli %select_n3A_634, %mul3A_635 : i32
      %add3A_637 = arith.constant 2 : i32
      %add3A_638 = arith.addi %mul3A_636, %add3A_637 : i32
      %add3A_639 = arith.constant 0 : i32
      %add3A_640 = vector.broadcast %add3A_639 : i32 to vector<16xi32>
      %add3A_641 = arith.addi %iota3A, %add3A_640 : vector<16xi32>
      %gather3A_642 = arith.constant 0 : i32
      %gather3A_643 = arith.constant 0 : i32
      %gather3A_644 = tpu.memref_slice %arg8[%select_n3A_155, %gather3A_642, %gather3A_643] : memref<12x64x128xf32, #tpu.memory_space<vmem>> -> memref<1x64x128xf32, #tpu.memory_space<vmem>>
      %gather3A_645 = tpu.memref_squeeze %gather3A_644 : memref<1x64x128xf32, #tpu.memory_space<vmem>> -> memref<64x128xf32, #tpu.memory_space<vmem>>
      %gather3A_646 = tpu.vector_load_idx %gather3A_645[%add3A_641, %broadcast_in_dim3A_618] : memref<64x128xf32, #tpu.memory_space<vmem>>[vector<16xi32>, vector<16xi32>], vector<16xf32>,
      %swap3A_647 = arith.index_cast %add3A_638 : i32 to index
      %swap3A_648 = arith.constant 0 : index
      %swap3A_649 = tpu.vector_load %arg9[%swap3A_647, %swap3A_648] {strides = array<i32>} : memref<128x128xf32, #tpu.memory_space<vmem>>, vector<16xf32>,
      tpu.vector_store %arg9[%swap3A_647, %swap3A_648], %gather3A_646 {strides = array<i32>} : memref<128x128xf32, #tpu.memory_space<vmem>>, vector<16xf32>,
      %add3A_650 = arith.constant 16 : i32
      %add3A_651 = vector.broadcast %add3A_650 : i32 to vector<16xi32>
      %add3A_652 = arith.addi %iota3A, %add3A_651 : vector<16xi32>
      %gather3A_653 = arith.constant 0 : i32
      %gather3A_654 = arith.constant 0 : i32
      %gather3A_655 = tpu.memref_slice %arg8[%select_n3A_155, %gather3A_653, %gather3A_654] : memref<12x64x128xf32, #tpu.memory_space<vmem>> -> memref<1x64x128xf32, #tpu.memory_space<vmem>>
      %gather3A_656 = tpu.memref_squeeze %gather3A_655 : memref<1x64x128xf32, #tpu.memory_space<vmem>> -> memref<64x128xf32, #tpu.memory_space<vmem>>
      %gather3A_657 = tpu.vector_load_idx %gather3A_656[%add3A_652, %broadcast_in_dim3A_618] : memref<64x128xf32, #tpu.memory_space<vmem>>[vector<16xi32>, vector<16xi32>], vector<16xf32>,
      %swap3A_658 = arith.index_cast %add3A_638 : i32 to index
      %swap3A_659 = arith.constant 16 : index
      %swap3A_660 = tpu.vector_load %arg9[%swap3A_658, %swap3A_659] {strides = array<i32>} : memref<128x128xf32, #tpu.memory_space<vmem>>, vector<16xf32>,
      tpu.vector_store %arg9[%swap3A_658, %swap3A_659], %gather3A_657 {strides = array<i32>} : memref<128x128xf32, #tpu.memory_space<vmem>>, vector<16xf32>,
      %add3A_661 = arith.constant 32 : i32
      %add3A_662 = vector.broadcast %add3A_661 : i32 to vector<16xi32>
      %add3A_663 = arith.addi %iota3A, %add3A_662 : vector<16xi32>
      %gather3A_664 = arith.constant 0 : i32
      %gather3A_665 = arith.constant 0 : i32
      %gather3A_666 = tpu.memref_slice %arg8[%select_n3A_155, %gather3A_664, %gather3A_665] : memref<12x64x128xf32, #tpu.memory_space<vmem>> -> memref<1x64x128xf32, #tpu.memory_space<vmem>>
      %gather3A_667 = tpu.memref_squeeze %gather3A_666 : memref<1x64x128xf32, #tpu.memory_space<vmem>> -> memref<64x128xf32, #tpu.memory_space<vmem>>
      %gather3A_668 = tpu.vector_load_idx %gather3A_667[%add3A_663, %broadcast_in_dim3A_618] : memref<64x128xf32, #tpu.memory_space<vmem>>[vector<16xi32>, vector<16xi32>], vector<16xf32>,
      %swap3A_669 = arith.index_cast %add3A_638 : i32 to index
      %swap3A_670 = arith.constant 32 : index
      %swap3A_671 = tpu.vector_load %arg9[%swap3A_669, %swap3A_670] {strides = array<i32>} : memref<128x128xf32, #tpu.memory_space<vmem>>, vector<16xf32>,
      tpu.vector_store %arg9[%swap3A_669, %swap3A_670], %gather3A_668 {strides = array<i32>} : memref<128x128xf32, #tpu.memory_space<vmem>>, vector<16xf32>,
      %add3A_672 = arith.constant 48 : i32
      %add3A_673 = vector.broadcast %add3A_672 : i32 to vector<16xi32>
      %add3A_674 = arith.addi %iota3A, %add3A_673 : vector<16xi32>
      %gather3A_675 = arith.constant 0 : i32
      %gather3A_676 = arith.constant 0 : i32
      %gather3A_677 = tpu.memref_slice %arg8[%select_n3A_155, %gather3A_675, %gather3A_676] : memref<12x64x128xf32, #tpu.memory_space<vmem>> -> memref<1x64x128xf32, #tpu.memory_space<vmem>>
      %gather3A_678 = tpu.memref_squeeze %gather3A_677 : memref<1x64x128xf32, #tpu.memory_space<vmem>> -> memref<64x128xf32, #tpu.memory_space<vmem>>
      %gather3A_679 = tpu.vector_load_idx %gather3A_678[%add3A_674, %broadcast_in_dim3A_618] : memref<64x128xf32, #tpu.memory_space<vmem>>[vector<16xi32>, vector<16xi32>], vector<16xf32>,
      %swap3A_680 = arith.index_cast %add3A_638 : i32 to index
      %swap3A_681 = arith.constant 48 : index
      %swap3A_682 = tpu.vector_load %arg9[%swap3A_680, %swap3A_681] {strides = array<i32>} : memref<128x128xf32, #tpu.memory_space<vmem>>, vector<16xf32>,
      tpu.vector_store %arg9[%swap3A_680, %swap3A_681], %gather3A_679 {strides = array<i32>} : memref<128x128xf32, #tpu.memory_space<vmem>>, vector<16xf32>,
      %and3A_683 = arith.constant 127 : i32
      %and3A_684 = arith.andi %scan3A_113, %and3A_683 : i32
      %broadcast_in_dim3A_685 = vector.broadcast %and3A_684 : i32 to vector<16xi32>
      %jit3A_686 = arith.constant 32 : i32
      %eq3A_687 = arith.constant 0 : i32
      %eq3A_688 = arith.cmpi eq, %jit3A_686, %eq3A_687 : i32
      %jit3A_689 = arith.constant 1 : i32
      %select_n3A_690 = arith.select %eq3A_688, %jit3A_689, %jit3A_686 : i32
      %rem3A_691 = arith.remsi %scan3A_106, %select_n3A_690 : i32
      %ne3A_692 = arith.constant 0 : i32
      %ne3A_693 = arith.cmpi ne, %rem3A_691, %ne3A_692 : i32
      %lt3A_694 = arith.constant 0 : i32
      %lt3A_695 = arith.cmpi slt, %rem3A_691, %lt3A_694 : i32
      %lt3A_696 = arith.constant 0 : i32
      %lt3A_697 = arith.cmpi slt, %select_n3A_690, %lt3A_696 : i32
      %ne3A_698 = arith.xori %lt3A_695, %lt3A_697 : i1
      %and3A_699 = arith.andi %ne3A_698, %ne3A_693 : i1
      %add3A_700 = arith.addi %rem3A_691, %select_n3A_690 : i32
      %select_n3A_701 = arith.select %and3A_699, %add3A_700, %rem3A_691 : i32
      %mul3A_702 = arith.constant 4 : i32
      %mul3A_703 = arith.muli %select_n3A_701, %mul3A_702 : i32
      %add3A_704 = arith.constant 3 : i32
      %add3A_705 = arith.addi %mul3A_703, %add3A_704 : i32
      %add3A_706 = arith.constant 0 : i32
      %add3A_707 = vector.broadcast %add3A_706 : i32 to vector<16xi32>
      %add3A_708 = arith.addi %iota3A, %add3A_707 : vector<16xi32>
      %gather3A_709 = arith.constant 0 : i32
      %gather3A_710 = arith.constant 0 : i32
      %gather3A_711 = tpu.memref_slice %arg8[%select_n3A_162, %gather3A_709, %gather3A_710] : memref<12x64x128xf32, #tpu.memory_space<vmem>> -> memref<1x64x128xf32, #tpu.memory_space<vmem>>
      %gather3A_712 = tpu.memref_squeeze %gather3A_711 : memref<1x64x128xf32, #tpu.memory_space<vmem>> -> memref<64x128xf32, #tpu.memory_space<vmem>>
      %gather3A_713 = tpu.vector_load_idx %gather3A_712[%add3A_708, %broadcast_in_dim3A_685] : memref<64x128xf32, #tpu.memory_space<vmem>>[vector<16xi32>, vector<16xi32>], vector<16xf32>,
      %swap3A_714 = arith.index_cast %add3A_705 : i32 to index
      %swap3A_715 = arith.constant 0 : index
      %swap3A_716 = tpu.vector_load %arg9[%swap3A_714, %swap3A_715] {strides = array<i32>} : memref<128x128xf32, #tpu.memory_space<vmem>>, vector<16xf32>,
      tpu.vector_store %arg9[%swap3A_714, %swap3A_715], %gather3A_713 {strides = array<i32>} : memref<128x128xf32, #tpu.memory_space<vmem>>, vector<16xf32>,
      %add3A_717 = arith.constant 16 : i32
      %add3A_718 = vector.broadcast %add3A_717 : i32 to vector<16xi32>
      %add3A_719 = arith.addi %iota3A, %add3A_718 : vector<16xi32>
      %gather3A_720 = arith.constant 0 : i32
      %gather3A_721 = arith.constant 0 : i32
      %gather3A_722 = tpu.memref_slice %arg8[%select_n3A_162, %gather3A_720, %gather3A_721] : memref<12x64x128xf32, #tpu.memory_space<vmem>> -> memref<1x64x128xf32, #tpu.memory_space<vmem>>
      %gather3A_723 = tpu.memref_squeeze %gather3A_722 : memref<1x64x128xf32, #tpu.memory_space<vmem>> -> memref<64x128xf32, #tpu.memory_space<vmem>>
      %gather3A_724 = tpu.vector_load_idx %gather3A_723[%add3A_719, %broadcast_in_dim3A_685] : memref<64x128xf32, #tpu.memory_space<vmem>>[vector<16xi32>, vector<16xi32>], vector<16xf32>,
      %swap3A_725 = arith.index_cast %add3A_705 : i32 to index
      %swap3A_726 = arith.constant 16 : index
      %swap3A_727 = tpu.vector_load %arg9[%swap3A_725, %swap3A_726] {strides = array<i32>} : memref<128x128xf32, #tpu.memory_space<vmem>>, vector<16xf32>,
      tpu.vector_store %arg9[%swap3A_725, %swap3A_726], %gather3A_724 {strides = array<i32>} : memref<128x128xf32, #tpu.memory_space<vmem>>, vector<16xf32>,
      %add3A_728 = arith.constant 32 : i32
      %add3A_729 = vector.broadcast %add3A_728 : i32 to vector<16xi32>
      %add3A_730 = arith.addi %iota3A, %add3A_729 : vector<16xi32>
      %gather3A_731 = arith.constant 0 : i32
      %gather3A_732 = arith.constant 0 : i32
      %gather3A_733 = tpu.memref_slice %arg8[%select_n3A_162, %gather3A_731, %gather3A_732] : memref<12x64x128xf32, #tpu.memory_space<vmem>> -> memref<1x64x128xf32, #tpu.memory_space<vmem>>
      %gather3A_734 = tpu.memref_squeeze %gather3A_733 : memref<1x64x128xf32, #tpu.memory_space<vmem>> -> memref<64x128xf32, #tpu.memory_space<vmem>>
      %gather3A_735 = tpu.vector_load_idx %gather3A_734[%add3A_730, %broadcast_in_dim3A_685] : memref<64x128xf32, #tpu.memory_space<vmem>>[vector<16xi32>, vector<16xi32>], vector<16xf32>,
      %swap3A_736 = arith.index_cast %add3A_705 : i32 to index
      %swap3A_737 = arith.constant 32 : index
      %swap3A_738 = tpu.vector_load %arg9[%swap3A_736, %swap3A_737] {strides = array<i32>} : memref<128x128xf32, #tpu.memory_space<vmem>>, vector<16xf32>,
      tpu.vector_store %arg9[%swap3A_736, %swap3A_737], %gather3A_735 {strides = array<i32>} : memref<128x128xf32, #tpu.memory_space<vmem>>, vector<16xf32>,
      %add3A_739 = arith.constant 48 : i32
      %add3A_740 = vector.broadcast %add3A_739 : i32 to vector<16xi32>
      %add3A_741 = arith.addi %iota3A, %add3A_740 : vector<16xi32>
      %gather3A_742 = arith.constant 0 : i32
      %gather3A_743 = arith.constant 0 : i32
      %gather3A_744 = tpu.memref_slice %arg8[%select_n3A_162, %gather3A_742, %gather3A_743] : memref<12x64x128xf32, #tpu.memory_space<vmem>> -> memref<1x64x128xf32, #tpu.memory_space<vmem>>
      %gather3A_745 = tpu.memref_squeeze %gather3A_744 : memref<1x64x128xf32, #tpu.memory_space<vmem>> -> memref<64x128xf32, #tpu.memory_space<vmem>>
      %gather3A_746 = tpu.vector_load_idx %gather3A_745[%add3A_741, %broadcast_in_dim3A_685] : memref<64x128xf32, #tpu.memory_space<vmem>>[vector<16xi32>, vector<16xi32>], vector<16xf32>,
      %swap3A_747 = arith.index_cast %add3A_705 : i32 to index
      %swap3A_748 = arith.constant 48 : index
      %swap3A_749 = tpu.vector_load %arg9[%swap3A_747, %swap3A_748] {strides = array<i32>} : memref<128x128xf32, #tpu.memory_space<vmem>>, vector<16xf32>,
      tpu.vector_store %arg9[%swap3A_747, %swap3A_748], %gather3A_746 {strides = array<i32>} : memref<128x128xf32, #tpu.memory_space<vmem>>, vector<16xf32>,
      %jit3A_750 = arith.constant 32 : i32
      %eq3A_751 = arith.constant 0 : i32
      %eq3A_752 = arith.cmpi eq, %jit3A_750, %eq3A_751 : i32
      %jit3A_753 = arith.constant 1 : i32
      %select_n3A_754 = arith.select %eq3A_752, %jit3A_753, %jit3A_750 : i32
      %rem3A_755 = arith.remsi %scan3A_106, %select_n3A_754 : i32
      %ne3A_756 = arith.constant 0 : i32
      %ne3A_757 = arith.cmpi ne, %rem3A_755, %ne3A_756 : i32
      %lt3A_758 = arith.constant 0 : i32
      %lt3A_759 = arith.cmpi slt, %rem3A_755, %lt3A_758 : i32
      %lt3A_760 = arith.constant 0 : i32
      %lt3A_761 = arith.cmpi slt, %select_n3A_754, %lt3A_760 : i32
      %ne3A_762 = arith.xori %lt3A_759, %lt3A_761 : i1
      %and3A_763 = arith.andi %ne3A_762, %ne3A_757 : i1
      %add3A_764 = arith.addi %rem3A_755, %select_n3A_754 : i32
      %select_n3A_765 = arith.select %and3A_763, %add3A_764, %rem3A_755 : i32
      %eq3A_766 = arith.constant 31 : i32
      %eq3A_767 = arith.cmpi eq, %select_n3A_765, %eq3A_766 : i32
      %convert_element_type3A_768 = arith.extui %eq3A_767 : i1 to i32
      %cond3A_769 = arith.constant 0 : i32
      %cond3A_770 = arith.cmpi ne, %convert_element_type3A_768, %cond3A_769 : i32
      scf.if %cond3A_770 {
        %jit3A_771 = arith.constant 32 : i32
        %div3A_772 = arith.divsi %scan3A_106, %jit3A_771 : i32
        %sign3A_773 = arith.constant 0 : i32
        %sign3A_774 = arith.cmpi sgt, %scan3A_106, %sign3A_773 : i32
        %sign3A_775 = arith.extui %sign3A_774 : i1 to i32
        %sign3A_776 = arith.constant 0 : i32
        %sign3A_777 = arith.cmpi slt, %scan3A_106, %sign3A_776 : i32
        %sign3A_778 = arith.extui %sign3A_777 : i1 to i32
        %sign3A_779 = arith.subi %sign3A_775, %sign3A_778 : i32
        %sign3A_780 = arith.constant 0 : i32
        %sign3A_781 = arith.cmpi sgt, %jit3A_771, %sign3A_780 : i32
        %sign3A_782 = arith.extui %sign3A_781 : i1 to i32
        %sign3A_783 = arith.constant 0 : i32
        %sign3A_784 = arith.cmpi slt, %jit3A_771, %sign3A_783 : i32
        %sign3A_785 = arith.extui %sign3A_784 : i1 to i32
        %sign3A_786 = arith.subi %sign3A_782, %sign3A_785 : i32
        %ne3A_787 = arith.cmpi ne, %sign3A_779, %sign3A_786 : i32
        %rem3A_788 = arith.remsi %scan3A_106, %jit3A_771 : i32
        %ne3A_789 = arith.constant 0 : i32
        %ne3A_790 = arith.cmpi ne, %rem3A_788, %ne3A_789 : i32
        %and3A_791 = arith.andi %ne3A_787, %ne3A_790 : i1
        %sub3A_792 = arith.constant 1 : i32
        %sub3A_793 = arith.subi %div3A_772, %sub3A_792 : i32
        %select_n3A_794 = arith.select %and3A_791, %sub3A_793, %div3A_772 : i32
        %dma_start3A = arith.constant 0 : i32
        %dma_start3A_795 = tpu.memref_slice %arg7[%select_n3A_794, %dma_start3A] : memref<4x128xi32, #tpu.memory_space<vmem>> -> memref<1x128xi32, #tpu.memory_space<vmem>>
        %dma_start3A_796 = tpu.memref_squeeze %dma_start3A_795 : memref<1x128xi32, #tpu.memory_space<vmem>> -> memref<128xi32, #tpu.memory_space<vmem>>
        %dma_start3A_797 = arith.constant 0 : i32
        %dma_start3A_798 = arith.constant 0 : i32
        %dma_start3A_799 = tpu.memref_slice %arg5[%dma_start3A_797, %dma_start3A_798] : memref<16384x128xf32, #tpu.memory_space<hbm>> -> memref<16384x128xf32, #tpu.memory_space<hbm>>
        tpu.enqueue_indirect_dma source(%arg9 : memref<128x128xf32, #tpu.memory_space<vmem>>) target(%dma_start3A_799 : memref<16384x128xf32, #tpu.memory_space<hbm>>) offsets(%dma_start3A_796 : memref<128xi32, #tpu.memory_space<vmem>>) semaphore(%arg13 : memref<!tpu.dma_semaphore, #tpu.memory_space<semaphore_mem>>)
      } else {
      }
      scf.yield %and3A_121, %add3A_166, %select_n3A_162, %reduce_sum3A_223, %reduce_sum3A_234, %reduce_sum3A_245, %reduce_sum3A_256 : i32, i32, i32, i32, i32, i32, i32
    }
    %scan3A_100 = arith.constant 128 : i32
    %dma_wait3A = arith.constant 0 : i32
    %dma_wait3A_101 = arith.constant 0 : i32
    %dma_wait3A_102 = tpu.memref_slice %arg5[%dma_wait3A, %dma_wait3A_101] : memref<16384x128xf32, #tpu.memory_space<hbm>> -> memref<128x128xf32, #tpu.memory_space<hbm>>
    %dma_wait3A_103 = arith.constant 0 : i32
    %dma_wait3A_104 = arith.constant 0 : i32
    %dma_wait3A_105 = tpu.memref_slice %arg5[%dma_wait3A_103, %dma_wait3A_104] : memref<16384x128xf32, #tpu.memory_space<hbm>> -> memref<128x128xf32, #tpu.memory_space<hbm>>
    tpu.wait_dma2 semaphore(%arg13 : memref<!tpu.dma_semaphore, #tpu.memory_space<semaphore_mem>>) src(%dma_wait3A_105 : memref<128x128xf32, #tpu.memory_space<hbm>>) dst(%arg9 : memref<128x128xf32, #tpu.memory_space<vmem>>)
    return
  }
}

</mosaic_0001>

<sc_bundles>
// kernel: kernel.3.cloned.1.call-start
scs
__scs_entry_jumppad:
0x0: {  	(pc) =	sbr.rel $0x88, $3  }
0x1: {  	(tag) =	ssettag $0x0;
	lr =	simm.s32 $0x1  }
0x2: {  	[smem:$0x3F9F] =	sst lr;
	_ =	strace $0xD0000000  }
0x3: {  	_ = 	snop  }
0x4: {  	_ = 	snop  }
0x5: {  	_ = 	snop  }
0x6: {  	_ = 	snop  }
0x7: {  	_ = 	snop  }
__scs_overlays_trampoline_lowered:
0x8: {  	[smem:$0x3FAE] =	sst s0  }
0x9: {  	[smem:$0x3FAF] =	sst s1  }
0xa: {  	[smem:$0x3FB0] =	sst s2  }
0xb: {  	[smem:$0x3FB1] =	sst s3  }
0xc: {  	[smem:$0x3FB2] =	sst s4  }
0xd: {  	[smem:$0x3FB3] =	sst s5  }
0xe: {  	[smem:$0x3FB4] =	sst s6  }
0xf: {  	[smem:$0x3FB5] =	sst s7  }
0x10: {  	[smem:$0x3FB6] =	sst s8  }
0x11: {  	[smem:$0x3FB7] =	sst s9;
	s0 =	simm.s32 @!p0 $0x0  }
0x12: {  	s1 =	sld [smem:$0x3F9D];
	s0 =	simm.s32 @p0 $0x1  }
0x13: {  	[smem:$0x3FB8] =	sst s0;
	s0 =	simm.s32 @!p1 $0x0  }
0x14: {  	s2 =	sld [smem:$0x3F9C];
	s0 =	simm.s32 @p1 $0x1  }
0x15: {  	[smem:$0x3FB9] =	sst s0;
	s0 =	simm.s32 @!p2 $0x0  }
0x16: {  	s3 =	sld [smem:$0x3FDB];
	s0 =	simm.s32 @p2 $0x1  }
0x17: {  	s4 =	simm.s32 $0x1BF5;
	[smem:$0x3FBB] =	sst s0  }
0x18: {  	s0 =	sld [smem:$0x3F9E];
	_ =	swait.ge [sflag:s4], $0x0  }
0x19: {  	s7 =	sld [smem:$0x3F9F]  }
0x1a: {  	s8 =	sadd.s32 $0xFFFFE003, lr  }
0x1b: {  	s9 =	sadd.s32 $0xFFFFFEF7, lr;
	s5 =	simm.s32 $0xFFFFFFFF;
	p2 =	slt.u32 s8, $0xFFFFF086  }
0x1c: {  	p1 =	slt.u32 s9, $0xF7A;
	s5 =	simm.s32 @!p2 $0x0  }
0x1d: {  	s5 =	simm.s32 @p1 $0x1;
	p0 =	seq.s32 s7, s2  }
0x1e: {  	s7 =	smul.u32 @!p0 $0xF7A, s2;
	p2 =	seq.s32 @!p0 s5, $0x0  }
0x1f: {  	s9 =	smul.u32 $0xF7A, s1;
	s8 =	simm.s32 @!p0 $0x1BF5;
	p2 =	por !p2, p0  }
0x20: {  	[sflag:s8] =	ssyncset.s32 @!p0 $0xFFFFF086;
	s6 =	sadd.s32 @!p0 s3, s7;
	s7 =	simm.s32 @!p0 $0x108  }
0x21: {  	s3 =	sadd.s32 s3, s9;
	s6 =	sadd.s32 @!p0 $0x88, s6;
	s7 =	simm.s32 @p2 $0x1082  }
0x22: {  	[simem:s7], [sflag:s8] =	dma.local @!p0 [hbm:s6], $0xF7A  }
0x23: {  	s9 =	sor.u32 $0xD0000000, s2;
	s6 =	simm.s32 $0x108;
	_ =	swait.ge @!p0 [sflag:s8], $0x0  }
0x24: {  	s3 =	sadd.s32 $0x88, s3;
	s6 =	simm.s32 @!p1 $0x1082;
	[sflag:s4] =	ssyncset.s32 $0xFFFFF086  }
0x25: {  	[simem:s6], [sflag:s4] =	dma.local [hbm:s3], $0xF7A  }
0x26: {  	[smem:$0x3F9F] =	sst s1;
	(tag) =	ssettag s2;
	_ =	strace s9  }
0x27: {  	s1 =	sld [smem:$0x3FAF]  }
0x28: {  	s2 =	sld [smem:$0x3FB0]  }
0x29: {  	s4 =	sld [smem:$0x3FB2]  }
0x2a: {  	p0 =	seq.s32 s5, $0x0;
	s5 =	sld [smem:$0x3FB3]  }
0x2b: {  	s6 =	sld [smem:$0x3FB4]  }
0x2c: {  	s7 =	sld [smem:$0x3FB5]  }
0x2d: {  	s3 =	simm.s32 $0x108;
	s8 =	sld [smem:$0x3FB6]  }
0x2e: {  	s3 =	simm.s32 @!p0 $0x1082;
	s9 =	sld [smem:$0x3FB7]  }
0x2f: {  	lr =	sadd.s32 s0, s3;
	s0 =	sld [smem:$0x3FAE]  }
0x30: {  	s3 =	sld [smem:$0x3FB1]  }
0x31: {  	[smem:$0x3FBA] =	sst s10  }
0x32: {  	s10 =	sld [smem:$0x3FB8];
	_ =	sdelay $0x3  }
0x33: {  	p0 =	seq.s32 s10, $0x1;
	s10 =	sld [smem:$0x3FBA];
	_ =	sdelay $0x3  }
0x34: {  	[smem:$0x3FBA] =	sst s10  }
0x35: {  	s10 =	sld [smem:$0x3FB9];
	_ =	sdelay $0x3  }
0x36: {  	p1 =	seq.s32 s10, $0x1;
	s10 =	sld [smem:$0x3FBA];
	_ =	sdelay $0x3  }
0x37: {  	[smem:$0x3FBA] =	sst s10  }
0x38: {  	s10 =	sld [smem:$0x3FBB]  }
0x39: {  	_ = 	snop;
	(pc) =	sbr.ind lr, $3  }
0x3a: {  	_ = 	snop  }
0x3b: {  	_ = 	snop  }
0x3c: {  	p2 =	seq.s32 s10, $0x1;
	s10 =	sld [smem:$0x3FBA]  }
0x3d: {  	_ =	shalt  }
0x3e: {  	_ =	shalt  }
0x3f: {  	_ =	shalt  }
0x40: {  	_ =	shalt  }
0x41: {  	_ =	shalt  }
0x42: {  	_ =	shalt  }
0x43: {  	_ =	shalt  }
0x44: {  	_ =	shalt  }
0x45: {  	_ =	shalt  }
0x46: {  	_ =	shalt  }
0x47: {  	_ =	shalt  }
0x48: {  	_ =	shalt  }
0x49: {  	_ =	shalt  }
0x4a: {  	_ =	shalt  }
0x4b: {  	_ =	shalt  }
0x4c: {  	_ =	shalt  }
0x4d: {  	_ =	shalt  }
0x4e: {  	_ =	shalt  }
0x4f: {  	_ =	shalt  }
0x50: {  	_ =	shalt  }
0x51: {  	_ =	shalt  }
0x52: {  	_ =	shalt  }
0x53: {  	_ =	shalt  }
0x54: {  	_ =	shalt  }
0x55: {  	_ =	shalt  }
0x56: {  	_ =	shalt  }
0x57: {  	_ =	shalt  }
0x58: {  	_ =	shalt  }
0x59: {  	_ =	shalt  }
0x5a: {  	_ =	shalt  }
0x5b: {  	_ =	shalt  }
0x5c: {  	_ =	shalt  }
0x5d: {  	_ =	shalt  }
0x5e: {  	_ =	shalt  }
0x5f: {  	_ =	shalt  }
0x60: {  	_ =	shalt  }
0x61: {  	_ =	shalt  }
0x62: {  	_ =	shalt  }
0x63: {  	_ =	shalt  }
0x64: {  	_ =	shalt  }
0x65: {  	_ =	shalt  }
0x66: {  	_ =	shalt  }
0x67: {  	_ =	shalt  }
0x68: {  	_ =	shalt  }
0x69: {  	_ =	shalt  }
0x6a: {  	_ =	shalt  }
0x6b: {  	_ =	shalt  }
0x6c: {  	_ =	shalt  }
0x6d: {  	_ =	shalt  }
0x6e: {  	_ =	shalt  }
0x6f: {  	_ =	shalt  }
0x70: {  	_ =	shalt  }
0x71: {  	_ =	shalt  }
0x72: {  	_ =	shalt  }
0x73: {  	_ =	shalt  }
0x74: {  	_ =	shalt  }
0x75: {  	_ =	shalt  }
0x76: {  	_ =	shalt  }
0x77: {  	_ =	shalt  }
0x78: {  	_ =	shalt  }
0x79: {  	_ =	shalt  }
0x7a: {  	_ =	shalt  }
0x7b: {  	_ =	shalt  }
0x7c: {  	_ =	shalt  }
0x7d: {  	_ =	shalt  }
0x7e: {  	_ =	shalt  }
0x7f: {  	_ =	shalt  }
0x80: {  	_ =	shalt  }
0x81: {  	_ =	shalt  }
0x82: {  	_ =	shalt  }
0x83: {  	_ =	shalt  }
0x84: {  	_ =	shalt  }
0x85: {  	_ =	shalt  }
0x86: {  	_ =	shalt  }
0x87: {  	_ =	shalt  }
.Lfunc_end0:
.L_simem_size_0:
called_computation_lowered:
.L_overlay_start_0:
0x88: {  	s2 =	sld [smem:$0x3FD9]  }
0x89: {  	s3 =	sld [smem:$0x3FFE];
	_ =	sdelay $0x1  }
0x8a: {  	s1 =	srdreg.scid  }
0x8b: {  	s0 =	sand.u32 $0x1, s1  }
0x8c: {  	s17 =	sshll.u32 s0, $0xA;
	s2 =	sadd.s32 s3, s2  }
0x8d: {  	s2 =	sadd.s32 s2, s17  }
0x8e: {  	[smem:$0x3FC6] =	sst s2  }
0x8f: {  	_ = 	snop  }
0x90: {  	s2 =	sld [smem:$0x3FC8]  }
0x91: {  	s18 =	sld [smem:$0x3FD0];
	(tm) =	ssettm $0x1  }
0x92: {  	s4 =	sld [smem:$0x3FFB];
	_ =	sdelay $0x3  }
0x93: {  	_ =	strace s4  }
0x94: {  	s4 =	sld [smem:$0x3FFC];
	_ =	sdelay $0x3  }
0x95: {  	_ =	strace s4  }
0x96: {  	s4 =	sld [smem:$0x3FFD];
	_ =	sdelay $0x3  }
0x97: {  	_ =	strace s4  }
0x98: {  	_ =	strace $0x8FFFFFFF  }
0x99: {  	s19 =	sld [smem:$0x3FDB];
	_ =	sdelay $0x1  }
0x9a: {  	s5 =	simm.s32 $_scs_section_size  }
0x9b: {  	s6 =	simm.s32 $_size__tile_overlayer_lowered;
	s7 =	simm.s32 $_tile_overlayer_lowered  }
0x9c: {  	s22 =	simm.s32 $0x1BFF;
	s21 =	sshll.u32 s7, $0x1;
	s4 =	sadd.s32 s5, s19  }
0x9d: {  	s8 =	simm.s32 $0x0;
	s20 =	sshll.u32 s6, $0x1;
	s6 =	sadd.s32 s21, s4  }
0x9e: {  	[timem:s8], [sflag:s22] =	dma.local [hbm:s6], s20  }
0x9f: {  	_ =	swait.ge [sflag:s22], s20  }
0xa0: {  	s5 =	ssub.s32 $0x0, s20;
	[sflag:s22] =	ssyncset.done $0x0  }
0xa1: {  	[sflag:s22] =	ssyncadd.s32 s5;
	_ =	sdelay $0x1  }
0xa2: {  	s23 =	simm.s32 $0x1B8B  }
0xa3: {  	_ =	swait.ge [sflag:s23], $0x1  }
0xa4: {  	[sflag:s23] =	ssyncset.done $0x0  }
0xa5: {  	s25 =	simm.s32 $0x1B8E;
	s24 =	sld [smem:$0x3FFE];
	[sflag:s23] =	ssyncadd.s32 $0xFFFFFFFF  }
0xa6: {  	s26 =	simm.s32 $execute0_lowered;
	[smem:$0x3FD2] =	sst s25  }
0xa7: {  	s6 =	sshll.u32 s26, $0x1;
	_ =	strace $0x80000046;
	[dreg:$0x1] =	wrdreg $0xFFFFFFFF  }
0xa8: {  	s28 =	simm.s32 $_size_execute0_lowered;
	s4 =	sadd.s32 s4, s6;
	[dreg:$0x0] =	wrdreg $0x0  }
0xa9: {  	s6 =	sshll.u32 s28, $0x1;
	[dreg:$0x2] =	wrdreg s4  }
0xaa: {  	[dreg:$0x3] =	wrdreg s6  }
0xab: {  	[dreg:$0x4] =	wrdreg $0xC0  }
0xac: {  	_ =	task [dreg:s8], $0x5FFFF  }
0xad: {  	[dreg:$0x1] =	wrdreg $0xFFFFFFFF  }
0xae: {  	[dreg:$0x0] =	wrdreg $0x60  }
0xaf: {  	[dreg:$0x2] =	wrdreg s2  }
0xb0: {  	[dreg:$0x3] =	wrdreg s18  }
0xb1: {  	[dreg:$0x4] =	wrdreg s24  }
0xb2: {  	[dreg:$0x5] =	wrdreg $0x9  }
0xb3: {  	_ =	task.clear_ibuf [dreg:s8], $0x6FFFF;
	_ =	strace $0x90000046  }
0xb4: {  	s29 =	simm.s32 $0x9;
	_ =	strace $0x80000048  }
0xb5: {  	_ =	swait.ge [sflag:s29], $0x1  }
0xb6: {  	[sflag:s29] =	ssyncadd.s32 $0xFFFFFFFF  }
0xb7: {  	_ =	strace $0x90000048  }
0xb8: {  	_ =	sfence  }
0xb9: {  	s30 =	sld [smem:$0x0];
	_ =	sdelay $0x2  }
0xba: {  	s31 =	sshll.u32 s1, $0xD;
	s1 =	sshrl.u32 s1, $0x2  }
0xbb: {  	s3 =	sand.u32 $0x4000, s31;
	s1 =	sadd.s32 s1, s30  }
0xbc: {  	s0 =	sor.u32 s3, s0;
	s1 =	sshll.u32 s1, $0x11  }
0xbd: {  	s0 =	sor.u32 s1, s0  }
0xbe: {  	s0 =	sadd.s32 $0x8F2B, s0  }
0xbf: {  	[sflag:s0] =	ssyncadd.remote.s32 $0x1  }
0xc0: {  	_ =	sfence.sel $0xFFFF  }
0xc1: {  	[dreg:$0x0] =	wrdreg $0xFFFFFFFF;
	(pc) =	sbr.abs _section_cstart, $3  }
0xc2: {  	[dreg:$0x1] =	wrdreg $0xFFFFFFFF  }
0xc3: {  	_ =	task.clear_ibuf [dreg:s8], $0x2FFFF;
	_ =	strace $0x9FFFFFFF  }
0xc4: {  	(tm) =	ssettm $0x7FFFFFFF  }
0xc5: {  	_ =	shalt  }
tec
execute0_lowered:
.L_overlay_start_1:
0x0: {  	(tag) =	ssettag $0x1  }
0x1: {  	s1 =	rddreg [dreg:$0x0]  }
0x2: {  	s0 =	rddreg [dreg:$0x1]  }
0x3: {  	s2 =	rddreg [dreg:$0x2];
	s3 =	simm.s32 $0x0;
	s28 =	srdreg.scid  }
0x4: {  	s4 =	stileid.u32;
	[smem:$0x7FF] =	sst s3  }
0x5: {  	s3 =	sand.u32 $0x1, s28;
	s6 =	sshll.u32 s4, $0x7;
	s29 =	sadd.s32 $0x800, s2  }
0x6: {  	_ =	strace $0x80000047;
	s5 =	ssub.s32 $0x2, s3;
	s3 =	sshll.u32 s3, $0x6  }
.Ltmp0:
0x7: {  	[dreg:$0x4] =	wrdreg s29;
	s8 =	sor.u32 s3, s6;
	(pc) =	sbr.rel .LBB2_1-.Ltmp0, $4  }
0x8: {  	v0 =	vlaneseq.u32;
	s7 =	sshrl.u32 s5, $0x1;
	s30 =	sadd.s32 s2, s3;
	s0 =	sadd.s32 s0, s8  }
0x9: {  	vm0 =	vmmov $0x1;
	v1 =	vmul.u32 $0x80, v0;
	s5 =	ssub.s32 s5, s7;
	[dreg:$0x5] =	wrdreg s0;
	s0 =	sadd.s32 s6, s30  }
0xa: {  	vm1 =	vcmask $0x308;
	vm2 =	vcmask $0x70C;
	vm3 =	vcmask $0xB10;
	s31 =	smax.u32 s5, $0x1;
	[dreg:$0x6] =	wrdreg s0  }
0xb: {  	v2 =	vor.u32 $0x800, v1;
	v3 =	vor.u32 $0x1000, v1;
	v4 =	vor.u32 $0x1800, v1;
	s3 =	simm.s32 $0x0;
	[dreg:$0x7] =	wrdreg s31  }
.LBB2_15:
0xc: {  	s2 =	simm.s32 $0x4  }
0xd: {  	_ =	swait.ge [sflag:s2], $0x4000  }
0xe: {  	s3 =	rddreg [dreg:$0x8]  }
0xf: {  	s0 =	rddreg [dreg:$0x7];
	s3 =	sadd.s32 $0x1, s3  }
0x10: {  	p0 =	sne.s32 s3, s0  }
.Ltmp1:
0x11: {  	_ = 	snop;
	(pc) =	sbr.rel @!p0 .LBB2_16-.Ltmp1, $3  }
0x12: {  	_ =	sdelay $0x1  }
0x13: {  	[sflag:s2] =	ssyncset.done $0x0  }
0x14: {  	[sflag:s2] =	ssyncadd.s32 $0xFFFFC000  }
.LBB2_1:
0x15: {  	[dreg:$0x8] =	wrdreg s3  }
0x16: {  	s0 =	simm.s32 $0x0;
	s2 =	rddreg [dreg:$0x5];
	s4 =	simm.s32 $0x5  }
0x17: {  	[tilespmem:s0], [sflag:$0x5] =	stream.linear.gather [hbm4b:s2+s0], $0x200, $0x38;
	[tilespmem:$0x1C480] =	vst v63  }
0x18: {  	_ =	swait.ge [sflag:s4], $0x200  }
0x19: {  	[sflag:s4] =	ssyncset.done $0x0  }
0x1a: {  	s23 =	simm.s32 $0x280;
	s22 =	rddreg [dreg:$0x6];
	[sflag:s4] =	ssyncadd.s32 $0xFFFFFE00  }
0x1b: {  	[tilespmem:s23], [sflag:$0x5] =	stream.linear.gather [hbm4b:s22+s0], $0x200, $0x38;
	[tilespmem:$0x1C480] =	vst v63  }
0x1c: {  	_ =	swait.ge [sflag:s4], $0x200  }
0x1d: {  	[sflag:s4] =	ssyncset.done $0x0  }
0x1e: {  	[sflag:s4] =	ssyncadd.s32 $0xFFFFFE00  }
0x1f: {  	v5 =	vld [tilespmem:$0x0];
	_ =	sdelay $0x4  }
0x20: {  	v6 =	vnsel vm0, $0x0, v5  }
0x21: {  	(xrf0) =	vadd.scan.msk.s32 $0xffff, v6;
	v6 =	vsel vm1, $0x0, v5  }
0x22: {  	(xrf0) =	vadd.scan.msk.s32 $0xffff, v6;
	v6 =	vsel vm2, $0x0, v5  }
0x23: {  	(xrf0) =	vadd.scan.msk.s32 $0xffff, v6  }
0x24: {  	v5 =	vsel vm3, $0x0, v5  }
0x25: {  	(xrf0) =	vadd.scan.msk.s32 $0xffff, v5;
	_ =	sdelay $0x1  }
0x26: {  	v5, _, _ =	vpop (xrf0)  }
0x27: {  	v6, _, _ =	vpop (xrf0);
	(v2sf) =	vpush v5, $0xF  }
0x28: {  	(v2sf) =	vpush v6, $0xF;
	v5, _, _ =	vpop (xrf0)  }
0x29: {  	(v2sf) =	vpush v5, $0xF  }
0x2a: {  	v5, _, _ =	vpop (xrf0)  }
0x2b: {  	(v2sf) =	vpush v5, $0xF;
	_ =	sdelay $0x7  }
0x2c: {  	s28 =	simm.s32 $0x400  }
0x2d: {  	s29 =	simm.s32 $0x7A1400;
	s6 =	simm.s32 $0x480;
	s3 =	simm.s32 $0x1  }
0x2e: {  	s19 =	simm.s32 $0x10;
	s20 =	simm.s32 $0x4;
	s21 =	simm.s32 $0x1  }
0x2f: {  	s22 =	simm.s32 $0xFFFFFFFF;
	s23 =	simm.s32 $0x1;
	s0 =	spop (v2sf)  }
0x30: {  	s16 =	spop (v2sf);
	s24 =	sand.u32 $0xFFFFFF80, s0;
	s5 =	sand.u32 $0xFFFFF80, s0  }
0x31: {  	s25 =	sand.u32 $0xFFFFFF80, s16;
	s18 =	spop (v2sf);
	s26 =	sadd.s32 s1, s5  }
0x32: {  	[tilespmem:s6], [sflag:$0x1] =	stream.strided.gather [hbm4b:s26+s28], $0x2000, s29, s28, $0x38;
	[tilespmem:$0x1C480] =	vst v63  }
0x33: {  	p0 =	seq.s32 s25, s24;
	s17 =	spop (v2sf);
	s30 =	sand.u32 $0xFFFFFF80, s18  }
0x34: {  	s6 =	simm.s32 $0x1;
	s2 =	sand.u32 @!p0 $0xFFFFF80, s16;
	s7 =	simm.s32 @!p0 $0x400  }
0x35: {  	s8 =	simm.s32 @!p0 $0x7A1400;
	s9 =	simm.s32 @!p0 $0x2480;
	s2 =	sadd.s32 @!p0 s1, s2  }
0x36: {  	[tilespmem:s9], [sflag:$0x1] =	stream.strided.gather @!p0 [hbm4b:s2+s7], $0x2000, s8, s7, $0x38;
	[tilespmem:$0x1C480] =	vst v63  }
0x37: {  	s6 =	simm.s32 @!p0 $0x2;
	p1 =	sne.s32 s30, s25;
	p0 =	seq.s32 s30, s25  }
0x38: {  	s7 =	sshll.u32 @!p0 s6, $0xD;
	s8 =	sand.u32 @!p0 $0xFFFFF80, s18;
	s9 =	simm.s32 @!p0 $0x400  }
0x39: {  	s12 =	simm.s32 @!p0 $0x7A1400;
	s7 =	sor.u32 @!p0 $0x480, s7;
	s8 =	sadd.s32 @!p0 s1, s8  }
0x3a: {  	[tilespmem:s7], [sflag:$0x1] =	stream.strided.gather @!p0 [hbm4b:s8+s9], $0x2000, s12, s9, $0x38;
	[tilespmem:$0x1C480] =	vst v63  }
.Ltmp2:
0x3b: {  	s31 =	sand.u32 $0xFFFFFF80, s17;
	s3 =	simm.s32 @!p1 $0x0;
	(pc) =	sbr.rel .LBB2_2-.Ltmp2, $4  }
0x3c: {  	s24 =	simm.s32 $0x0;
	s3 =	sadd.s32 s3, s6;
	p0 =	seq.s32 s31, s30  }
0x3d: {  	s2 =	sshll.u32 @!p0 s3, $0xD;
	s3 =	sand.u32 @!p0 $0xFFFFF80, s17;
	s5 =	simm.s32 @!p0 $0x400  }
0x3e: {  	s6 =	simm.s32 @!p0 $0x7A1400;
	s2 =	sor.u32 @!p0 $0x480, s2;
	s3 =	sadd.s32 @!p0 s1, s3  }
0x3f: {  	[tilespmem:s2], [sflag:$0x1] =	stream.strided.gather @!p0 [hbm4b:s3+s5], $0x2000, s6, s5, $0x38;
	[tilespmem:$0x1C480] =	vst v63  }
.LBB2_13:
0x40: {  	_ =	swait.ge [sflag:s5], $0x2000  }
0x41: {  	[sflag:s5] =	ssyncset.done $0x0  }
0x42: {  	[sflag:s5] =	ssyncadd.s32 $0xFFFFE000  }
.LBB2_14:
0x43: {  	s2 =	sand.u32 $0x1F, s2;
	p4 =	seq.s32 s19, $0x10  }
0x44: {  	s3 =	sshll.u32 s3, $0x2;
	s4 =	sand.u32 $0x7F, s15;
	p5 =	sne.s32 @!p4 s2, $0x0  }
0x45: {  	s5 =	sand.u32 $0xFC, s3;
	v5 =	vor.u32 s4, v1;
	p4 =	por p5, p4  }
0x46: {  	s24 =	smov.u32 @p3 s5;
	s3 =	simm.s32 @!p4 $0x4  }
0x47: {  	s6 =	sshll.u32 s24, $0xD;
	_ =	swait.ge @!p4 [sflag:s3], $0x4000  }
0x48: {  	s6 =	sand.u32 $0x3FFFE000, s6;
	[sflag:s3] =	ssyncset.done @!p4 $0x0  }
0x49: {  	s6 =	sor.u32 $0x480, s6;
	[sflag:s3] =	ssyncadd.s32 @!p4 $0xFFFFC000  }
0x4a: {  	v5 =	vld.idx.msk [tilespmem:v5+s6+$0x0], $0xffff  }
0x4b: {  	v6 =	vor.u32 s4, v2;
	_ =	sdelay $0x2  }
0x4c: {  	s14 =	sshll.u32 s2, $0x9  }
0x4d: {  	[tilespmem:s14+$0x18480] =	vst v5  }
0x4e: {  	v5 =	vld.idx.msk [tilespmem:v6+s6+$0x0], $0xffff  }
0x4f: {  	v6 =	vor.u32 s4, v3;
	_ =	sdelay $0x3  }
0x50: {  	[tilespmem:s14+$0x18490] =	vst v5  }
0x51: {  	v5 =	vld.idx.msk [tilespmem:v6+s6+$0x0], $0xffff  }
0x52: {  	v6 =	vor.u32 s4, v4;
	_ =	sdelay $0x3  }
0x53: {  	[tilespmem:s14+$0x184A0] =	vst v5  }
0x54: {  	s15 =	sand.u32 $0x7F, s29;
	v5 =	vld.idx.msk [tilespmem:v6+s6+$0x0], $0xffff  }
0x55: {  	s6 =	sor.u32 s5, s31;
	v6 =	vor.u32 s15, v1  }
0x56: {  	s24 =	smov.u32 @p2 s6  }
0x57: {  	s6 =	sshll.u32 s24, $0xD  }
0x58: {  	s6 =	sand.u32 $0x3FFFE000, s6  }
0x59: {  	s6 =	sor.u32 $0x480, s6;
	[tilespmem:s14+$0x184B0] =	vst v5  }
0x5a: {  	v5 =	vld.idx.msk [tilespmem:v6+s6+$0x0], $0xffff  }
0x5b: {  	v6 =	vor.u32 s15, v2;
	_ =	sdelay $0x3  }
0x5c: {  	[tilespmem:s14+$0x18500] =	vst v5  }
0x5d: {  	v5 =	vld.idx.msk [tilespmem:v6+s6+$0x0], $0xffff  }
0x5e: {  	v6 =	vor.u32 s15, v3;
	_ =	sdelay $0x3  }
0x5f: {  	[tilespmem:s14+$0x18510] =	vst v5  }
0x60: {  	v5 =	vld.idx.msk [tilespmem:v6+s6+$0x0], $0xffff  }
0x61: {  	v6 =	vor.u32 s15, v4;
	_ =	sdelay $0x3  }
0x62: {  	[tilespmem:s14+$0x18520] =	vst v5  }
0x63: {  	s29 =	sand.u32 $0x7F, s26;
	v5 =	vld.idx.msk [tilespmem:v6+s6+$0x0], $0xffff  }
0x64: {  	s6 =	sor.u32 s5, s30;
	v6 =	vor.u32 s29, v1  }
0x65: {  	s24 =	smov.u32 @p1 s6  }
0x66: {  	s6 =	sshll.u32 s24, $0xD  }
0x67: {  	s6 =	sand.u32 $0x3FFFE000, s6  }
0x68: {  	s6 =	sor.u32 $0x480, s6;
	[tilespmem:s14+$0x18530] =	vst v5  }
0x69: {  	v5 =	vld.idx.msk [tilespmem:v6+s6+$0x0], $0xffff  }
0x6a: {  	v6 =	vor.u32 s29, v2;
	_ =	sdelay $0x3  }
0x6b: {  	[tilespmem:s14+$0x18580] =	vst v5  }
0x6c: {  	v5 =	vld.idx.msk [tilespmem:v6+s6+$0x0], $0xffff  }
0x6d: {  	v6 =	vor.u32 s29, v3;
	_ =	sdelay $0x3  }
0x6e: {  	[tilespmem:s14+$0x18590] =	vst v5  }
0x6f: {  	v5 =	vld.idx.msk [tilespmem:v6+s6+$0x0], $0xffff  }
0x70: {  	v6 =	vor.u32 s29, v4;
	_ =	sdelay $0x3  }
0x71: {  	[tilespmem:s14+$0x185A0] =	vst v5  }
0x72: {  	s31 =	sand.u32 $0x7F, s25;
	v5 =	vld.idx.msk [tilespmem:v6+s6+$0x0], $0xffff  }
0x73: {  	s5 =	sadd.s32 s5, s28;
	v6 =	vor.u32 s31, v1  }
0x74: {  	s24 =	smov.u32 @p0 s5  }
0x75: {  	s5 =	sshll.u32 s24, $0xD  }
0x76: {  	s5 =	sand.u32 $0x3FFFE000, s5  }
0x77: {  	s5 =	sor.u32 $0x480, s5;
	[tilespmem:s14+$0x185B0] =	vst v5  }
0x78: {  	v5 =	vld.idx.msk [tilespmem:v6+s5+$0x0], $0xffff  }
0x79: {  	v6 =	vor.u32 s31, v2;
	_ =	sdelay $0x3  }
0x7a: {  	[tilespmem:s14+$0x18600] =	vst v5  }
0x7b: {  	v5 =	vld.idx.msk [tilespmem:v6+s5+$0x0], $0xffff  }
0x7c: {  	v6 =	vor.u32 s31, v3;
	_ =	sdelay $0x3  }
0x7d: {  	[tilespmem:s14+$0x18610] =	vst v5  }
0x7e: {  	v5 =	vld.idx.msk [tilespmem:v6+s5+$0x0], $0xffff  }
0x7f: {  	v6 =	vor.u32 s31, v4;
	_ =	sdelay $0x3  }
0x80: {  	[tilespmem:s14+$0x18620] =	vst v5  }
0x81: {  	v5 =	vld.idx.msk [tilespmem:v6+s5+$0x0], $0xffff  }
0x82: {  	p0 =	sne.s32 s2, $0x1F  }
0x83: {  	s2 =	sadd.s32 @!p0 $0xFFFFFFF0, s19  }
0x84: {  	s2 =	sand.u32 @!p0 $0x600, s2  }
0x85: {  	s3 =	simm.s32 @!p0 $0x80;
	s4 =	simm.s32 @!p0 $0x18480;
	s2 =	sshrl.u32 @!p0 s2, $0x2  }
0x86: {  	s19 =	sadd.s32 $0x10, s19;
	s2 =	sadd.s32 @!p0 $0x280, s2;
	s5 =	rddreg [dreg:$0x4];
	[tilespmem:s14+$0x18630] =	vst v5  }
0x87: {  	[hbm4b:s5+s3] =	stream.indirect.scatter @!p0 [tilespmem:s4], [sflag:$0x4], $0x80, s2, s3, $0xb8;
	[tilespmem:$0x1C480] =	vst v63  }
0x88: {  	p0 =	sne.s32 s19, $0x810  }
.Ltmp3:
0x89: {  	_ = 	snop;
	(pc) =	sbr.rel @!p0 .LBB2_15-.Ltmp3, $2  }
0x8a: {  	_ =	sdelay $0x2  }
0x8b: {  	s21 =	sadd.s32 $0x1, s21;
	s20 =	sadd.s32 $0x4, s20  }
.LBB2_2:
0x8c: {  	s2 =	sand.u32 $0xFC0, s19  }
0x8d: {  	s2 =	sshrl.u32 s2, $0x2  }
0x8e: {  	v5 =	vld [tilespmem:s2+$0x0];
	_ =	sdelay $0x1  }
0x8f: {  	s9 =	sand.u32 $0xC, s20  }
0x90: {  	v6 =	vmov s9;
	s3 =	sor.u32 $0x1, s9  }
0x91: {  	vm4 =	veq.s32 v6, v0;
	v6 =	vmov s3  }
0x92: {  	v7 =	vnsel vm4, $0x0, v5;
	vm4 =	veq.s32 v6, v0  }
0x93: {  	(xrf0) =	vadd.scan.msk.s32 $0xffff, v7;
	v6 =	vnsel vm4, $0x0, v5  }
0x94: {  	(xrf0) =	vadd.scan.msk.s32 $0xffff, v6;
	_ =	sdelay $0x3  }
0x95: {  	s10 =	sor.u32 $0x2, s9  }
0x96: {  	s2 =	sor.u32 $0x3, s9;
	v7 =	vmov s10;
	v6, _, _ =	vpop (xrf0)  }
0x97: {  	vm4 =	veq.s32 v7, v0;
	v7 =	vmov s2;
	(v2sf) =	vpush v6, $0xF;
	v6, _, _ =	vpop (xrf0)  }
0x98: {  	(v2sf) =	vpush v6, $0xF;
	v6 =	vnsel vm4, $0x0, v5;
	vm4 =	veq.s32 v7, v0  }
0x99: {  	(xrf0) =	vadd.scan.msk.s32 $0xffff, v6;
	v5 =	vnsel vm4, $0x0, v5  }
0x9a: {  	(xrf0) =	vadd.scan.msk.s32 $0xffff, v5;
	_ =	sdelay $0x4  }
0x9b: {  	v5, _, _ =	vpop (xrf0)  }
0x9c: {  	s15 =	smov.u32 s0;
	s29 =	smov.u32 s16;
	s6 =	sand.u32 $0xFFFFFF80, s18;
	(v2sf) =	vpush v5, $0xF;
	v5, _, _ =	vpop (xrf0)  }
0x9d: {  	p1 =	seq.s32 s23, $0x0;
	s11 =	sand.u32 $0xFFFFFF80, s15;
	s5 =	sand.u32 $0xFFFFFF80, s29;
	(v2sf) =	vpush v5, $0xF  }
0x9e: {  	s31 =	simm.s32 $0x1;
	p0 =	sne.s32 s11, s22;
	p2 =	sne.s32 s5, s11  }
0x9f: {  	s3 =	simm.s32 $0x1;
	s22 =	sand.u32 $0xFFFFFF80, s17;
	p3 =	por p1, p0  }
0xa0: {  	s3 =	simm.s32 @!p2 $0x0;
	p1 =	sne.s32 s6, s5;
	s2 =	smul.u32 $0xAB, s21  }
0xa1: {  	s5 =	simm.s32 $0x1;
	p0 =	sne.s32 s22, s6;
	s31 =	simm.s32 @!p3 $0x0  }
0xa2: {  	s5 =	simm.s32 @!p1 $0x0;
	s30 =	sadd.s32 s3, s31;
	s12 =	sshrl.u32 s2, $0x9  }
0xa3: {  	s3 =	simm.s32 $0x1;
	s28 =	sadd.s32 s5, s30;
	s13 =	sand.u32 $0x7F, s12  }
0xa4: {  	s3 =	simm.s32 @!p0 $0x0;
	s14 =	smul.u32 $0x3, s13;
	s0 =	spop (v2sf)  }
0xa5: {  	s26 =	smov.u32 s18;
	s23 =	sadd.s32 s3, s28;
	s16 =	spop (v2sf)  }
0xa6: {  	s3 =	ssub.s32 s21, s14;
	s13 =	sand.u32 $0xFFFFFF80, s0;
	s8 =	sand.u32 $0xFFFFFF80, s16  }
0xa7: {  	s5 =	simm.s32 $0x1;
	s14 =	sand.u32 $0xFF, s3;
	p6 =	sne.s32 s8, s13  }
0xa8: {  	s25 =	smov.u32 s17;
	s5 =	simm.s32 @!p6 $0x0;
	p6 =	seq.s32 s14, $0x1  }
.Ltmp4:
0xa9: {  	p4 =	seq.s32 s23, $0x0;
	p5 =	sne.s32 s13, s22;
	(pc) =	sbr.rel @p6 .LBB2_5-.Ltmp4, $4  }
0xaa: {  	s7 =	simm.s32 $0x1;
	s3 =	sshll.u32 s3, $0x2;
	p5 =	por p4, p5  }
0xab: {  	s3 =	sand.u32 $0xFC, s3;
	s7 =	simm.s32 @!p5 $0x0;
	s18 =	spop (v2sf)  }
0xac: {  	s5 =	sadd.s32 s5, s7;
	s9 =	sor.u32 s3, s7;
	s17 =	spop (v2sf)  }
0xad: {  	s7 =	sor.u32 s3, s5;
	s12 =	sand.u32 $0xFFFFFF80, s18;
	s6 =	sand.u32 $0xFFFFFF80, s17  }
0xae: {  	p6 =	sne.s32 s14, $0x0  }
.Ltmp5:
0xaf: {  	_ = 	snop;
	(pc) =	sbr.rel @p6 .LBB2_6-.Ltmp5, $1  }
0xb0: {  	_ =	sdelay $0x3  }
0xb1: {  	s14 =	sshll.u32 @p5 s3, $0xD;
	s10 =	sand.u32 @p5 $0xFFFFF80, s0;
	s11 =	simm.s32 @p5 $0x400  }
0xb2: {  	s4 =	simm.s32 @p5 $0x7A1400;
	s14 =	sor.u32 @p5 $0x480, s14;
	s10 =	sadd.s32 @p5 s1, s10  }
0xb3: {  	[tilespmem:s14], [sflag:$0x1] =	stream.strided.gather @p5 [hbm4b:s10+s11], $0x2000, s4, s11, $0x38;
	[tilespmem:$0x1C480] =	vst v63  }
0xb4: {  	p5 =	seq.s32 s8, s13  }
0xb5: {  	s4 =	sshll.u32 @!p5 s9, $0xD;
	s9 =	sand.u32 @!p5 $0xFFFFF80, s16;
	s10 =	simm.s32 @!p5 $0x400  }
0xb6: {  	s11 =	simm.s32 @!p5 $0x7A1400;
	s4 =	sor.u32 @!p5 $0x480, s4;
	s9 =	sadd.s32 @!p5 s1, s9  }
0xb7: {  	[tilespmem:s4], [sflag:$0x1] =	stream.strided.gather @!p5 [hbm4b:s9+s10], $0x2000, s11, s10, $0x38;
	[tilespmem:$0x1C480] =	vst v63  }
0xb8: {  	p5 =	seq.s32 s12, s8  }
0xb9: {  	s4 =	sshll.u32 @!p5 s7, $0xD;
	s7 =	sand.u32 @!p5 $0xFFFFF80, s18;
	s9 =	simm.s32 @!p5 $0x400  }
0xba: {  	s10 =	simm.s32 @!p5 $0x7A1400;
	s4 =	sor.u32 @!p5 $0x480, s4;
	s7 =	sadd.s32 @!p5 s1, s7  }
0xbb: {  	[tilespmem:s4], [sflag:$0x1] =	stream.strided.gather @!p5 [hbm4b:s7+s9], $0x2000, s10, s9, $0x38;
	[tilespmem:$0x1C480] =	vst v63  }
0xbc: {  	p5 =	seq.s32 s6, s12  }
.Ltmp6:
0xbd: {  	_ = 	snop;
	(pc) =	sbr.rel @p5 .LBB2_8-.Ltmp6, $2  }
0xbe: {  	_ =	sdelay $0x2  }
0xbf: {  	s6 =	simm.s32 $0x1  }
.LBB2_7:
0xc0: {  	p5 =	sne.s32 s12, s8;
	s4 =	simm.s32 $0x1  }
0xc1: {  	s4 =	simm.s32 @!p5 $0x0  }
0xc2: {  	s3 =	sor.u32 s3, s4  }
0xc3: {  	s3 =	sadd.s32 s5, s3  }
0xc4: {  	s13 =	sand.u32 $0xFFFFF80, s17;
	s14 =	simm.s32 $0x400;
	s3 =	sshll.u32 s3, $0xD  }
0xc5: {  	s7 =	simm.s32 $0x7A1400;
	s4 =	sadd.s32 s1, s13;
	s3 =	sor.u32 $0x480, s3  }
0xc6: {  	[tilespmem:s3], [sflag:s6] =	stream.strided.gather [hbm4b:s4+s14], $0x2000, s7, s14, $0x38;
	[tilespmem:$0x1C480] =	vst v63  }
.LBB2_8:
0xc7: {  	s2 =	sadd.s32 $0xFFFFFF55, s2  }
0xc8: {  	s2 =	sshrl.u32 s2, $0x9  }
0xc9: {  	s2 =	sand.u32 $0x7F, s2  }
0xca: {  	s3 =	smul.u32 $0x3, s2  }
0xcb: {  	s2 =	sadd.s32 $0xFFFFFFFF, s21  }
0xcc: {  	s3 =	ssub.s32 s2, s3  }
0xcd: {  	s5 =	sand.u32 $0xFF, s3  }
0xce: {  	p5 =	seq.s32 s5, $0x2  }
.Ltmp7:
0xcf: {  	_ = 	snop;
	(pc) =	sbr.rel @p5 .LBB2_12-.Ltmp7, $1  }
0xd0: {  	_ =	sdelay $0x3  }
0xd1: {  	p5 =	seq.s32 s5, $0x1  }
.Ltmp8:
0xd2: {  	_ = 	snop;
	(pc) =	sbr.rel @!p5 .LBB2_10-.Ltmp8, $1  }
0xd3: {  	_ =	sdelay $0x3  }
0xd4: {  	s4 =	simm.s32 @!p4 $0x2  }
0xd5: {  	p5 =	seq.s32 @!p4 s23, $0x1;
	_ =	swait.ge @!p4 [sflag:s4], $0x2000  }
0xd6: {  	p5 =	por p4, p5;
	[sflag:s4] =	ssyncset.done @!p4 $0x0  }
0xd7: {  	[sflag:s4] =	ssyncadd.s32 @!p4 $0xFFFFE000;
	s4 =	simm.s32 @!p5 $0x2  }
0xd8: {  	p4 =	slt.u32 @!p5 s23, $0x3;
	_ =	swait.ge @!p5 [sflag:s4], $0x2000  }
0xd9: {  	p4 =	por p5, p4;
	[sflag:s4] =	ssyncset.done @!p5 $0x0  }
0xda: {  	[sflag:s4] =	ssyncadd.s32 @!p5 $0xFFFFE000;
	p5 =	seq.s32 @!p4 s23, $0x3  }
0xdb: {  	p5 =	por p4, p5  }
.Ltmp9:
0xdc: {  	_ = 	snop;
	(pc) =	sbr.rel @p5 .LBB2_14-.Ltmp9, $4  }
.Ltmp10:
0xdd: {  	s5 =	simm.s32 @!p4 $0x2;
	(pc) =	sbr.rel @!p5 .LBB2_13-.Ltmp10, $4  }
0xde: {  	_ =	swait.ge @!p4 [sflag:s5], $0x2000  }
0xdf: {  	[sflag:s5] =	ssyncset.done @!p4 $0x0  }
0xe0: {  	[sflag:s5] =	ssyncadd.s32 @!p4 $0xFFFFE000  }
0xe1: {  	_ = 	snop  }
.LBB2_5:
0xe2: {  	s4 =	sshll.u32 @p5 s3, $0xD;
	s10 =	sand.u32 @p5 $0xFFFFF80, s0;
	s11 =	simm.s32 @p5 $0x400  }
0xe3: {  	s14 =	simm.s32 @p5 $0x7A1400;
	s4 =	sor.u32 @p5 $0x480, s4;
	s10 =	sadd.s32 @p5 s1, s10  }
0xe4: {  	[tilespmem:s4], [sflag:$0x2] =	stream.strided.gather @p5 [hbm4b:s10+s11], $0x2000, s14, s11, $0x38;
	[tilespmem:$0x1C480] =	vst v63  }
0xe5: {  	p5 =	seq.s32 s8, s13  }
0xe6: {  	s4 =	sshll.u32 @!p5 s9, $0xD;
	s9 =	sand.u32 @!p5 $0xFFFFF80, s16;
	s10 =	simm.s32 @!p5 $0x400  }
0xe7: {  	s11 =	simm.s32 @!p5 $0x7A1400;
	s4 =	sor.u32 @!p5 $0x480, s4;
	s9 =	sadd.s32 @!p5 s1, s9  }
0xe8: {  	[tilespmem:s4], [sflag:$0x2] =	stream.strided.gather @!p5 [hbm4b:s9+s10], $0x2000, s11, s10, $0x38;
	[tilespmem:$0x1C480] =	vst v63  }
0xe9: {  	p5 =	seq.s32 s12, s8  }
0xea: {  	s4 =	sshll.u32 @!p5 s7, $0xD;
	s7 =	sand.u32 @!p5 $0xFFFFF80, s18;
	s9 =	simm.s32 @!p5 $0x400  }
0xeb: {  	s10 =	simm.s32 @!p5 $0x7A1400;
	s4 =	sor.u32 @!p5 $0x480, s4;
	s7 =	sadd.s32 @!p5 s1, s7  }
0xec: {  	[tilespmem:s4], [sflag:$0x2] =	stream.strided.gather @!p5 [hbm4b:s7+s9], $0x2000, s10, s9, $0x38;
	[tilespmem:$0x1C480] =	vst v63  }
0xed: {  	p5 =	seq.s32 s6, s12  }
.Ltmp11:
0xee: {  	_ = 	snop;
	(pc) =	sbr.rel @p5 .LBB2_8-.Ltmp11, $4  }
.Ltmp12:
0xef: {  	_ = 	snop;
	(pc) =	sbr.rel @!p5 .LBB2_7-.Ltmp12, $4  }
0xf0: {  	_ = 	snop  }
0xf1: {  	_ = 	snop  }
0xf2: {  	s6 =	simm.s32 $0x2  }
0xf3: {  	_ = 	snop  }
.LBB2_12:
0xf4: {  	s4 =	simm.s32 @!p4 $0x3  }
0xf5: {  	p5 =	seq.s32 @!p4 s23, $0x1;
	_ =	swait.ge @!p4 [sflag:s4], $0x2000  }
0xf6: {  	p5 =	por p4, p5;
	[sflag:s4] =	ssyncset.done @!p4 $0x0  }
0xf7: {  	[sflag:s4] =	ssyncadd.s32 @!p4 $0xFFFFE000;
	s4 =	simm.s32 @!p5 $0x3  }
0xf8: {  	p4 =	slt.u32 @!p5 s23, $0x3;
	_ =	swait.ge @!p5 [sflag:s4], $0x2000  }
0xf9: {  	p4 =	por p5, p4;
	[sflag:s4] =	ssyncset.done @!p5 $0x0  }
0xfa: {  	[sflag:s4] =	ssyncadd.s32 @!p5 $0xFFFFE000;
	p5 =	seq.s32 @!p4 s23, $0x3  }
0xfb: {  	p5 =	por p4, p5  }
.Ltmp13:
0xfc: {  	_ = 	snop;
	(pc) =	sbr.rel @p5 .LBB2_14-.Ltmp13, $4  }
.Ltmp14:
0xfd: {  	s5 =	simm.s32 @!p4 $0x3;
	(pc) =	sbr.rel @!p5 .LBB2_13-.Ltmp14, $4  }
0xfe: {  	_ =	swait.ge @!p4 [sflag:s5], $0x2000  }
0xff: {  	[sflag:s5] =	ssyncset.done @!p4 $0x0  }
0x100: {  	[sflag:s5] =	ssyncadd.s32 @!p4 $0xFFFFE000  }
0x101: {  	_ = 	snop  }
.LBB2_6:
0x102: {  	p6 =	seq.s32 s19, $0x800  }
0x103: {  	p5 =	por !p5, p6  }
0x104: {  	s4 =	sshll.u32 @!p5 s3, $0xD;
	s10 =	sand.u32 @!p5 $0xFFFFF80, s0;
	s11 =	simm.s32 @!p5 $0x400  }
0x105: {  	s14 =	simm.s32 @!p5 $0x7A1400;
	s4 =	sor.u32 @!p5 $0x480, s4;
	s10 =	sadd.s32 @!p5 s1, s10  }
0x106: {  	[tilespmem:s4], [sflag:$0x3] =	stream.strided.gather @!p5 [hbm4b:s10+s11], $0x2000, s14, s11, $0x38;
	[tilespmem:$0x1C480] =	vst v63  }
0x107: {  	p5 =	seq.s32 @!p6 s8, s13  }
0x108: {  	p5 =	por p5, p6  }
0x109: {  	s4 =	sshll.u32 @!p5 s9, $0xD;
	s9 =	sand.u32 @!p5 $0xFFFFF80, s16;
	s10 =	simm.s32 @!p5 $0x400  }
0x10a: {  	s11 =	simm.s32 @!p5 $0x7A1400;
	s4 =	sor.u32 @!p5 $0x480, s4;
	s9 =	sadd.s32 @!p5 s1, s9  }
0x10b: {  	[tilespmem:s4], [sflag:$0x3] =	stream.strided.gather @!p5 [hbm4b:s9+s10], $0x2000, s11, s10, $0x38;
	[tilespmem:$0x1C480] =	vst v63  }
0x10c: {  	p5 =	seq.s32 @!p6 s12, s8  }
0x10d: {  	p5 =	por p5, p6  }
0x10e: {  	s4 =	sshll.u32 @!p5 s7, $0xD;
	s7 =	sand.u32 @!p5 $0xFFFFF80, s18;
	s9 =	simm.s32 @!p5 $0x400  }
0x10f: {  	s10 =	simm.s32 @!p5 $0x7A1400;
	s4 =	sor.u32 @!p5 $0x480, s4;
	s7 =	sadd.s32 @!p5 s1, s7  }
0x110: {  	[tilespmem:s4], [sflag:$0x3] =	stream.strided.gather @!p5 [hbm4b:s7+s9], $0x2000, s10, s9, $0x38;
	[tilespmem:$0x1C480] =	vst v63  }
0x111: {  	p5 =	seq.s32 @!p6 s6, s12  }
0x112: {  	p5 =	por p6, p5  }
.Ltmp15:
0x113: {  	_ = 	snop;
	(pc) =	sbr.rel @p5 .LBB2_8-.Ltmp15, $4  }
.Ltmp16:
0x114: {  	_ = 	snop;
	(pc) =	sbr.rel @!p5 .LBB2_7-.Ltmp16, $4  }
0x115: {  	_ = 	snop  }
0x116: {  	_ = 	snop  }
0x117: {  	s6 =	simm.s32 @!p6 $0x3  }
0x118: {  	_ = 	snop  }
.LBB2_10:
0x119: {  	s4 =	simm.s32 @!p4 $0x1  }
0x11a: {  	p5 =	seq.s32 @!p4 s23, $0x1;
	_ =	swait.ge @!p4 [sflag:s4], $0x2000  }
0x11b: {  	p5 =	por p4, p5;
	[sflag:s4] =	ssyncset.done @!p4 $0x0  }
0x11c: {  	[sflag:s4] =	ssyncadd.s32 @!p4 $0xFFFFE000;
	s4 =	simm.s32 @!p5 $0x1  }
0x11d: {  	p4 =	slt.u32 @!p5 s23, $0x3;
	_ =	swait.ge @!p5 [sflag:s4], $0x2000  }
0x11e: {  	p4 =	por p5, p4;
	[sflag:s4] =	ssyncset.done @!p5 $0x0  }
0x11f: {  	[sflag:s4] =	ssyncadd.s32 @!p5 $0xFFFFE000;
	p5 =	seq.s32 @!p4 s23, $0x3  }
0x120: {  	p5 =	por p4, p5  }
.Ltmp17:
0x121: {  	_ = 	snop;
	(pc) =	sbr.rel @p5 .LBB2_14-.Ltmp17, $4  }
.Ltmp18:
0x122: {  	s5 =	simm.s32 @!p4 $0x1;
	(pc) =	sbr.rel @!p5 .LBB2_13-.Ltmp18, $4  }
0x123: {  	_ =	swait.ge @!p4 [sflag:s5], $0x2000  }
0x124: {  	[sflag:s5] =	ssyncset.done @!p4 $0x0  }
0x125: {  	[sflag:s5] =	ssyncadd.s32 @!p4 $0xFFFFE000  }
0x126: {  	_ = 	snop  }
.LBB2_16:
0x127: {  	_ =	sfence.sel $0x180000  }
0x128: {  	[bflag:$0x0] =	sbarrier.arrive $0xFFFF  }
0x129: {  	_ =	strace $0x90000047  }
0x12a: {  	s0 =	stileid.u32;
	[bflag:$0x2] =	sbarrier.arrive $0xFFFF  }
0x12b: {  	p0 =	sne.s32 s0, $0x0;
	s0 =	rddreg [dreg:$0x3]  }
0x12c: {  	s0 =	sadd.s32 @!p0 $0x100000, s0  }
0x12d: {  	[sflag:s0] =	ssyncadd.tile.s32 @!p0 $0x1;
	_ =	shalt  }
.Lfunc_end2:
_tile_overlayer_lowered:
.L_overlay_start_2:
0x12e: {  	(tag) =	ssettag $0x2  }
0x12f: {  	s0 =	rddreg [dreg:$0x0];
	s2 =	stileid.u32  }
0x130: {  	s1 =	rddreg [dreg:$0x1];
	p0 =	sne.s32 s2, $0x0  }
0x131: {  	s3 =	rddreg [dreg:$0x2];
	[bflag:$0x3] =	sbarrier.arrive $0xFFFF;
	s2 =	simm.s32 @!p0 $0x1C05  }
0x132: {  	[timem:s3], [sflag:s2] =	dma.local @!p0 [hbm:s0], s1  }
0x133: {  	s0 =	simm.s32 @!p0 $0x5  }
0x134: {  	_ =	swait.ge @!p0 [sflag:s0], s1  }
0x135: {  	s1 =	ssub.s32 @!p0 $0x0, s1;
	[sflag:s0] =	ssyncset.done @!p0 $0x0  }
0x136: {  	[sflag:s0] =	ssyncadd.s32 @!p0 s1  }
0x137: {  	[bflag:$0x3] =	sbarrier.arrive $0xFFFF  }
0x138: {  	_ =	shalt  }

</sc_bundles>
